<compile_context>
chip_gen: v7x
topology: tpu7x:2x2x1
jax: 0.10.2.dev20260603
libtpu: 0.0.44.dev20260713+nightly
codegen_flags: <defaults>
</compile_context>

<pallas_src>
import jax
import jax.numpy as jnp
from jax import lax
from jax.experimental import pallas as pl
from jax.experimental.pallas import tpu as pltpu
from jax.experimental.pallas import tpu_sc as plsc

D_HALF = 128
D = 2 * D_HALF
NUM_BINS = 50
R_MIN = -4000.0
R_MAX = 4000.0

NC, NS, L = 2, 16, 16
NW = NC * NS

N_POS = 16 * 8192
P_PER_W = N_POS // NW
CH = 32
NCH = P_PER_W // CH
NBUF = 4

PAIR_PAD = 2560
PB_ROWS = PAIR_PAD // NS
B_PAD = 512
Y_OFF = 256


def _sc_body(xc_hbm, yc_hbm, ct_hbm, out_hbm,
             xc_v, yc_v, kidx_v, bidx_v, hb, paired,
             rb0, rb1, rb2, rb3, gs0, gs1, gs2, gs3,
             ws0, ws1, ws2, ws3):
    rbufs = (rb0, rb1, rb2, rb3)
    gsems = (gs0, gs1, gs2, gs3)
    wsems = (ws0, ws1, ws2, ws3)

    cid = lax.axis_index("c")
    sid = lax.axis_index("s")
    wid = sid * NC + cid
    base = wid * P_PER_W

    k0 = sid * PB_ROWS

    @pl.loop(0, 2 * PB_ROWS // L)
    def _(i):
        h = 2 * k0 + i * L + lax.iota(jnp.int32, L)
        k = h >> 1
        q = (k * 1311) >> 16
        r = k - q * NUM_BINS
        bidx_v[pl.ds(i * L, L)] = jnp.where(
            (h & 1) == 0,
            jnp.minimum(q, NUM_BINS - 1),
            NUM_BINS + r,
        )

    for o in range(0, 2 * PB_ROWS, 128):
        n = min(128, 2 * PB_ROWS - o)
        pltpu.async_copy(
            ct_hbm.at[bidx_v.at[pl.ds(o, n)]],
            hb.at[pl.ds(o, n)],
            gsems[0],
        ).wait()

    pltpu.sync_copy(hb, paired.at[pl.ds(k0, PB_ROWS)].reshape(2 * PB_ROWS, D_HALF))
    plsc.subcore_barrier()

    pltpu.sync_copy(xc_hbm.at[pl.ds(base, P_PER_W)], xc_v)
    pltpu.sync_copy(yc_hbm.at[pl.ds(base, P_PER_W)], yc_v)

    def bins(c):
        n = jnp.clip((c - R_MIN) / (R_MAX - R_MIN), 0.0, 1.0)
        return (n * float(NUM_BINS - 1)).astype(jnp.int32)

    @pl.loop(0, P_PER_W // L)
    def _(i):
        bx = bins(xc_v[pl.ds(i * L, L)])
        by = bins(yc_v[pl.ds(i * L, L)])
        kidx_v[pl.ds(i * L, L)] = bx * NUM_BINS + by

    def idx_slice(g):
        return kidx_v.at[pl.ds(g * CH, CH)]

    def out_slice(g):
        return out_hbm.at[pl.ds(base + g * CH, CH)]

    pltpu.async_copy(paired.at[idx_slice(0)], rbufs[0], gsems[0])
    pltpu.async_copy(paired.at[idx_slice(1)], rbufs[1], gsems[1])

    @pl.loop(0, NCH, step=NBUF)
    def _(g0):
        for b in range(NBUF):
            g = g0 + b
            nb = (b + 2) % NBUF

            @pl.when(g + 2 < NCH)
            def _():
                @pl.when(g >= 2)
                def _():
                    pltpu.make_async_copy(rbufs[nb], out_slice(0), wsems[nb]).wait()
                pltpu.async_copy(paired.at[idx_slice(g + 2)], rbufs[nb], gsems[nb])

            pltpu.make_async_copy(
                paired.at[idx_slice(g)], rbufs[b], gsems[b]).wait()
            pltpu.async_copy(rbufs[b], out_slice(g), wsems[b])

    for b in range(NBUF):
        pltpu.make_async_copy(rbufs[b], out_slice(0), wsems[b]).wait()


@jax.jit
def _pos_encode(xc, yc, comb):
    mesh = plsc.VectorSubcoreMesh(
        core_axis_name="c", subcore_axis_name="s", num_cores=NC, num_subcores=NS)
    f = pl.kernel(
        _sc_body,
        out_type=jax.ShapeDtypeStruct((N_POS, 2, D_HALF), jnp.float32),
        name="pos_encode_sc",
        mesh=mesh,
        scratch_types=[
            pltpu.VMEM((P_PER_W,), jnp.float32),
            pltpu.VMEM((P_PER_W,), jnp.float32),
            pltpu.VMEM((P_PER_W,), jnp.int32),
            pltpu.VMEM((2 * PB_ROWS,), jnp.int32),
            pltpu.VMEM((2 * PB_ROWS, D_HALF), jnp.float32),
            pltpu.VMEM_SHARED((PAIR_PAD, 2, D_HALF), jnp.float32),
            pltpu.VMEM((CH, 2, D_HALF), jnp.float32),
            pltpu.VMEM((CH, 2, D_HALF), jnp.float32),
            pltpu.VMEM((CH, 2, D_HALF), jnp.float32),
            pltpu.VMEM((CH, 2, D_HALF), jnp.float32),
            pltpu.SemaphoreType.DMA,
            pltpu.SemaphoreType.DMA,
            pltpu.SemaphoreType.DMA,
            pltpu.SemaphoreType.DMA,
            pltpu.SemaphoreType.DMA,
            pltpu.SemaphoreType.DMA,
            pltpu.SemaphoreType.DMA,
            pltpu.SemaphoreType.DMA,
        ],
    )
    return f(xc, yc, comb)


def kernel(positions, x_embed, y_embed):
    xc = positions[..., 0].reshape(-1)
    yc = positions[..., 1].reshape(-1)
    comb = jnp.concatenate([x_embed, y_embed], axis=0)
    out = _pos_encode(xc, yc, comb)
    return out.reshape(positions.shape[0], positions.shape[1], D)

# --- scband reference (transcript-rebuilt; emitter-appended) ---
"""Pipeline reference for scband-position-encoding-learned-59742995087603 (READ-ONLY COPY).

The authoritative reference and input builder live on the scoring server;
editing this copy changes nothing except your own understanding.
"""

import jax, jax.numpy as jnp
import numpy as np

D_MODEL = 256
NUM_BINS = 50
X_RANGE = (-4000.0, 4000.0)
Y_RANGE = (-4000.0, 4000.0)


def _discretize(coords, range_min, range_max, num_bins):
    normalized = (coords - range_min) / (range_max - range_min)
    normalized = jnp.clip(normalized, 0.0, 1.0)
    bin_indices = (normalized * (num_bins - 1)).astype(jnp.int32)
    return bin_indices


def setup_inputs(seed: int = 0) -> dict:
    key = jax.random.key(seed)
    k1, k2, k3 = jax.random.split(key, 3)
    positions = jax.random.normal(k1, (16, 8192, 2), dtype=jnp.float32)
    # learned embedding tables, uniform init per reset_parameters()
    x_embed = jax.random.uniform(k2, (NUM_BINS, D_MODEL // 2), dtype=jnp.float32)
    y_embed = jax.random.uniform(k3, (NUM_BINS, D_MODEL // 2), dtype=jnp.float32)
    return {"positions": positions, "x_embed": x_embed, "y_embed": y_embed}


def reference(positions, x_embed, y_embed):
    x_bins = _discretize(positions[..., 0], X_RANGE[0], X_RANGE[1], NUM_BINS)
    y_bins = _discretize(positions[..., 1], Y_RANGE[0], Y_RANGE[1], NUM_BINS)
    x_emb = jnp.take(x_embed, x_bins, axis=0)
    y_emb = jnp.take(y_embed, y_bins, axis=0)
    pos = jnp.concatenate([x_emb, y_emb], axis=-1)
    return pos

if __name__ == "__main__":
    import jax
    _d = setup_inputs()
    print(jax.jit(kernel)(*tuple(_d.values())))

</pallas_src>

<mosaic_0001>
#map = affine_map<(d0, d1) -> (0)>
#map1 = affine_map<(d0, d1) -> (0, 0)>
#map2 = affine_map<(d0, d1) -> (0, 0, 0)>
module attributes {stable_mosaic.version = 14 : i64} {
  func.func @pos_encode_sc(%arg0: i32, %arg1: i32, %arg2: memref<131072xf32, #tpu.memory_space<hbm>>, %arg3: memref<131072xf32, #tpu.memory_space<hbm>>, %arg4: memref<100x128xf32, #tpu.memory_space<hbm>>, %arg5: memref<131072x2x128xf32, #tpu.memory_space<hbm>>, %arg6: memref<4096xf32, #tpu.memory_space<vmem>>, %arg7: memref<4096xf32, #tpu.memory_space<vmem>>, %arg8: memref<4096xi32, #tpu.memory_space<vmem>>, %arg9: memref<320xi32, #tpu.memory_space<vmem>>, %arg10: memref<320x128xf32, #tpu.memory_space<vmem>>, %arg11: memref<2560x2x128xf32, #tpu.memory_space<vmem_shared>>, %arg12: memref<32x2x128xf32, #tpu.memory_space<vmem>>, %arg13: memref<32x2x128xf32, #tpu.memory_space<vmem>>, %arg14: memref<32x2x128xf32, #tpu.memory_space<vmem>>, %arg15: memref<32x2x128xf32, #tpu.memory_space<vmem>>, %arg16: memref<!tpu.dma_semaphore, #tpu.memory_space<semaphore_mem>>, %arg17: memref<!tpu.dma_semaphore, #tpu.memory_space<semaphore_mem>>, %arg18: memref<!tpu.dma_semaphore, #tpu.memory_space<semaphore_mem>>, %arg19: memref<!tpu.dma_semaphore, #tpu.memory_space<semaphore_mem>>, %arg20: memref<!tpu.dma_semaphore, #tpu.memory_space<semaphore_mem>>, %arg21: memref<!tpu.dma_semaphore, #tpu.memory_space<semaphore_mem>>, %arg22: memref<!tpu.dma_semaphore, #tpu.memory_space<semaphore_mem>>, %arg23: memref<!tpu.dma_semaphore, #tpu.memory_space<semaphore_mem>>) attributes {dimension_semantics = [#tpu.dimension_semantics<core_parallel>, #tpu.dimension_semantics<subcore_parallel>], iteration_bounds = array<i64: 2, 16>, scalar_prefetch = 0 : i64, scratch_operands = 18 : i64, tpu.core_type = #tpu.core_type<sc_vector_subcore>, window_params = [{transform_indices = #map}, {transform_indices = #map}, {transform_indices = #map1}, {transform_indices = #map2}]} {
    %mul3A = arith.constant 2 : i32
    %mul3A_0 = arith.muli %arg1, %mul3A : i32
    %add3A = arith.addi %mul3A_0, %arg0 : i32
    %mul3A_1 = arith.constant 4096 : i32
    %mul3A_2 = arith.muli %add3A, %mul3A_1 : i32
    %mul3A_3 = arith.constant 160 : i32
    %mul3A_4 = arith.muli %arg1, %mul3A_3 : i32
    %scan3A = arith.constant 0 : i32
    %scan3A_5 = arith.constant 20 : i32
    %scan3A_6 = arith.addi %scan3A, %scan3A_5 : i32
    %scan3A_7 = arith.constant 1 : i32
    scf.for %scan3A_109 = %scan3A to %scan3A_6 step %scan3A_7  : i32 {
      %mul3A_110 = arith.constant 1 : i32
      %mul3A_111 = arith.muli %scan3A_109, %mul3A_110 : i32
      %add3A_112 = arith.constant 0 : i32
      %add3A_113 = arith.addi %add3A_112, %mul3A_111 : i32
      %mul3A_114 = arith.constant 2 : i32
      %mul3A_115 = arith.muli %mul3A_114, %mul3A_4 : i32
      %mul3A_116 = arith.constant 16 : i32
      %mul3A_117 = arith.muli %add3A_113, %mul3A_116 : i32
      %add3A_118 = arith.addi %mul3A_115, %mul3A_117 : i32
      %iota3A = tpu.iota {dimensions = array<i32: 0>} : vector<16xi32>
      %add3A_119 = vector.broadcast %add3A_118 : i32 to vector<16xi32>
      %add3A_120 = arith.addi %add3A_119, %iota3A : vector<16xi32>
      %shift_right_arithmetic3A = arith.constant 1 : i32
      %shift_right_arithmetic3A_121 = vector.broadcast %shift_right_arithmetic3A : i32 to vector<16xi32>
      %shift_right_arithmetic3A_122 = arith.shrsi %add3A_120, %shift_right_arithmetic3A_121 : vector<16xi32>
      %mul3A_123 = arith.constant 1311 : i32
      %mul3A_124 = vector.broadcast %mul3A_123 : i32 to vector<16xi32>
      %mul3A_125 = arith.muli %shift_right_arithmetic3A_122, %mul3A_124 : vector<16xi32>
      %shift_right_arithmetic3A_126 = arith.constant 16 : i32
      %shift_right_arithmetic3A_127 = vector.broadcast %shift_right_arithmetic3A_126 : i32 to vector<16xi32>
      %shift_right_arithmetic3A_128 = arith.shrsi %mul3A_125, %shift_right_arithmetic3A_127 : vector<16xi32>
      %mul3A_129 = arith.constant 50 : i32
      %mul3A_130 = vector.broadcast %mul3A_129 : i32 to vector<16xi32>
      %mul3A_131 = arith.muli %shift_right_arithmetic3A_128, %mul3A_130 : vector<16xi32>
      %sub3A = arith.subi %shift_right_arithmetic3A_122, %mul3A_131 : vector<16xi32>
      %and3A = arith.constant 1 : i32
      %and3A_132 = vector.broadcast %and3A : i32 to vector<16xi32>
      %and3A_133 = arith.andi %add3A_120, %and3A_132 : vector<16xi32>
      %eq3A = arith.constant 0 : i32
      %eq3A_134 = vector.broadcast %eq3A : i32 to vector<16xi32>
      %eq3A_135 = arith.cmpi eq, %and3A_133, %eq3A_134 : vector<16xi32>
      %min3A = arith.constant 49 : i32
      %min3A_136 = vector.broadcast %min3A : i32 to vector<16xi32>
      %min3A_137 = arith.minsi %shift_right_arithmetic3A_128, %min3A_136 : vector<16xi32>
      %add3A_138 = arith.constant 50 : i32
      %add3A_139 = vector.broadcast %add3A_138 : i32 to vector<16xi32>
      %add3A_140 = arith.addi %add3A_139, %sub3A : vector<16xi32>
      %select_n3A = arith.select %eq3A_135, %min3A_137, %add3A_140 : vector<16xi1>, vector<16xi32>
      %mul3A_141 = arith.constant 16 : i32
      %mul3A_142 = arith.muli %add3A_113, %mul3A_141 : i32
      %swap3A = arith.index_cast %mul3A_142 : i32 to index
      %swap3A_143 = tpu.vector_load %arg9[%swap3A] {strides = array<i32>} : memref<320xi32, #tpu.memory_space<vmem>>, vector<16xi32>,
      %swap3A_144 = vector.shape_cast %swap3A_143 : vector<16xi32> to vector<16xi32>
      %swap3A_145 = vector.shape_cast %select_n3A : vector<16xi32> to vector<16xi32>
      tpu.vector_store %arg9[%swap3A], %swap3A_145 {strides = array<i32>} : memref<320xi32, #tpu.memory_space<vmem>>, vector<16xi32>,
    }
    %scan3A_8 = arith.constant 20 : i32
    %dma_start3A = arith.constant 0 : i32
    %dma_start3A_9 = arith.constant 0 : i32
    %dma_start3A_10 = tpu.memref_slice %arg10[%dma_start3A, %dma_start3A_9] : memref<320x128xf32, #tpu.memory_space<vmem>> -> memref<128x128xf32, #tpu.memory_space<vmem>>
    %dma_start3A_11 = arith.constant 0 : i32
    %dma_start3A_12 = tpu.memref_slice %arg9[%dma_start3A_11] : memref<320xi32, #tpu.memory_space<vmem>> -> memref<128xi32, #tpu.memory_space<vmem>>
    %dma_start3A_13 = arith.constant 0 : i32
    %dma_start3A_14 = arith.constant 0 : i32
    %dma_start3A_15 = tpu.memref_slice %arg4[%dma_start3A_13, %dma_start3A_14] : memref<100x128xf32, #tpu.memory_space<hbm>> -> memref<100x128xf32, #tpu.memory_space<hbm>>
    tpu.enqueue_indirect_dma source(%dma_start3A_15 : memref<100x128xf32, #tpu.memory_space<hbm>>) target(%dma_start3A_10 : memref<128x128xf32, #tpu.memory_space<vmem>>) offsets(%dma_start3A_12 : memref<128xi32, #tpu.memory_space<vmem>>) semaphore(%arg16 : memref<!tpu.dma_semaphore, #tpu.memory_space<semaphore_mem>>)
    %dma_wait3A = arith.constant 0 : i32
    %dma_wait3A_16 = arith.constant 0 : i32
    %dma_wait3A_17 = tpu.memref_slice %arg10[%dma_wait3A, %dma_wait3A_16] : memref<320x128xf32, #tpu.memory_space<vmem>> -> memref<128x128xf32, #tpu.memory_space<vmem>>
    %dma_wait3A_18 = arith.constant 0 : i32
    %dma_wait3A_19 = tpu.memref_slice %arg9[%dma_wait3A_18] : memref<320xi32, #tpu.memory_space<vmem>> -> memref<128xi32, #tpu.memory_space<vmem>>
    %dma_wait3A_20 = arith.constant 0 : i32
    %dma_wait3A_21 = arith.constant 0 : i32
    %dma_wait3A_22 = tpu.memref_slice %arg4[%dma_wait3A_20, %dma_wait3A_21] : memref<100x128xf32, #tpu.memory_space<hbm>> -> memref<100x128xf32, #tpu.memory_space<hbm>>
    tpu.wait_indirect_dma semaphore(%arg16 : memref<!tpu.dma_semaphore, #tpu.memory_space<semaphore_mem>>) src(%dma_wait3A_22 : memref<100x128xf32, #tpu.memory_space<hbm>>) dst(%dma_wait3A_17 : memref<128x128xf32, #tpu.memory_space<vmem>>)
    %dma_start3A_23 = arith.constant 128 : i32
    %dma_start3A_24 = arith.constant 0 : i32
    %dma_start3A_25 = tpu.memref_slice %arg10[%dma_start3A_23, %dma_start3A_24] : memref<320x128xf32, #tpu.memory_space<vmem>> -> memref<128x128xf32, #tpu.memory_space<vmem>>
    %dma_start3A_26 = arith.constant 128 : i32
    %dma_start3A_27 = tpu.memref_slice %arg9[%dma_start3A_26] : memref<320xi32, #tpu.memory_space<vmem>> -> memref<128xi32, #tpu.memory_space<vmem>>
    %dma_start3A_28 = arith.constant 0 : i32
    %dma_start3A_29 = arith.constant 0 : i32
    %dma_start3A_30 = tpu.memref_slice %arg4[%dma_start3A_28, %dma_start3A_29] : memref<100x128xf32, #tpu.memory_space<hbm>> -> memref<100x128xf32, #tpu.memory_space<hbm>>
    tpu.enqueue_indirect_dma source(%dma_start3A_30 : memref<100x128xf32, #tpu.memory_space<hbm>>) target(%dma_start3A_25 : memref<128x128xf32, #tpu.memory_space<vmem>>) offsets(%dma_start3A_27 : memref<128xi32, #tpu.memory_space<vmem>>) semaphore(%arg16 : memref<!tpu.dma_semaphore, #tpu.memory_space<semaphore_mem>>)
    %dma_wait3A_31 = arith.constant 128 : i32
    %dma_wait3A_32 = arith.constant 0 : i32
    %dma_wait3A_33 = tpu.memref_slice %arg10[%dma_wait3A_31, %dma_wait3A_32] : memref<320x128xf32, #tpu.memory_space<vmem>> -> memref<128x128xf32, #tpu.memory_space<vmem>>
    %dma_wait3A_34 = arith.constant 128 : i32
    %dma_wait3A_35 = tpu.memref_slice %arg9[%dma_wait3A_34] : memref<320xi32, #tpu.memory_space<vmem>> -> memref<128xi32, #tpu.memory_space<vmem>>
    %dma_wait3A_36 = arith.constant 0 : i32
    %dma_wait3A_37 = arith.constant 0 : i32
    %dma_wait3A_38 = tpu.memref_slice %arg4[%dma_wait3A_36, %dma_wait3A_37] : memref<100x128xf32, #tpu.memory_space<hbm>> -> memref<100x128xf32, #tpu.memory_space<hbm>>
    tpu.wait_indirect_dma semaphore(%arg16 : memref<!tpu.dma_semaphore, #tpu.memory_space<semaphore_mem>>) src(%dma_wait3A_38 : memref<100x128xf32, #tpu.memory_space<hbm>>) dst(%dma_wait3A_33 : memref<128x128xf32, #tpu.memory_space<vmem>>)
    %dma_start3A_39 = arith.constant 256 : i32
    %dma_start3A_40 = arith.constant 0 : i32
    %dma_start3A_41 = tpu.memref_slice %arg10[%dma_start3A_39, %dma_start3A_40] : memref<320x128xf32, #tpu.memory_space<vmem>> -> memref<64x128xf32, #tpu.memory_space<vmem>>
    %dma_start3A_42 = arith.constant 256 : i32
    %dma_start3A_43 = tpu.memref_slice %arg9[%dma_start3A_42] : memref<320xi32, #tpu.memory_space<vmem>> -> memref<64xi32, #tpu.memory_space<vmem>>
    %dma_start3A_44 = arith.constant 0 : i32
    %dma_start3A_45 = arith.constant 0 : i32
    %dma_start3A_46 = tpu.memref_slice %arg4[%dma_start3A_44, %dma_start3A_45] : memref<100x128xf32, #tpu.memory_space<hbm>> -> memref<100x128xf32, #tpu.memory_space<hbm>>
    tpu.enqueue_indirect_dma source(%dma_start3A_46 : memref<100x128xf32, #tpu.memory_space<hbm>>) target(%dma_start3A_41 : memref<64x128xf32, #tpu.memory_space<vmem>>) offsets(%dma_start3A_43 : memref<64xi32, #tpu.memory_space<vmem>>) semaphore(%arg16 : memref<!tpu.dma_semaphore, #tpu.memory_space<semaphore_mem>>)
    %dma_wait3A_47 = arith.constant 256 : i32
    %dma_wait3A_48 = arith.constant 0 : i32
    %dma_wait3A_49 = tpu.memref_slice %arg10[%dma_wait3A_47, %dma_wait3A_48] : memref<320x128xf32, #tpu.memory_space<vmem>> -> memref<64x128xf32, #tpu.memory_space<vmem>>
    %dma_wait3A_50 = arith.constant 256 : i32
    %dma_wait3A_51 = tpu.memref_slice %arg9[%dma_wait3A_50] : memref<320xi32, #tpu.memory_space<vmem>> -> memref<64xi32, #tpu.memory_space<vmem>>
    %dma_wait3A_52 = arith.constant 0 : i32
    %dma_wait3A_53 = arith.constant 0 : i32
    %dma_wait3A_54 = tpu.memref_slice %arg4[%dma_wait3A_52, %dma_wait3A_53] : memref<100x128xf32, #tpu.memory_space<hbm>> -> memref<100x128xf32, #tpu.memory_space<hbm>>
    tpu.wait_indirect_dma semaphore(%arg16 : memref<!tpu.dma_semaphore, #tpu.memory_space<semaphore_mem>>) src(%dma_wait3A_54 : memref<100x128xf32, #tpu.memory_space<hbm>>) dst(%dma_wait3A_49 : memref<64x128xf32, #tpu.memory_space<vmem>>)
    "tpu.region"() ({
      %run_scoped3A = tpu.sem_alloc : memref<!tpu.dma_semaphore, #tpu.memory_space<semaphore_mem>>
      %dma_start3A_109 = arith.constant 0 : i32
      %dma_start3A_110 = arith.constant 0 : i32
      %dma_start3A_111 = tpu.memref_slice %arg11[%mul3A_4, %dma_start3A_109, %dma_start3A_110] : memref<2560x2x128xf32, #tpu.memory_space<vmem_shared>> -> memref<160x2x128xf32, #tpu.memory_space<vmem_shared>>
      %dma_start3A_112 = tpu.memref_reshape %dma_start3A_111 : memref<160x2x128xf32, #tpu.memory_space<vmem_shared>> -> memref<320x128xf32, #tpu.memory_space<vmem_shared>>
      %dma_start3A_113 = arith.constant 0 : i32
      %dma_start3A_114 = arith.constant 0 : i32
      %dma_start3A_115 = tpu.memref_slice %arg11[%mul3A_4, %dma_start3A_113, %dma_start3A_114] : memref<2560x2x128xf32, #tpu.memory_space<vmem_shared>> -> memref<160x2x128xf32, #tpu.memory_space<vmem_shared>>
      %dma_start3A_116 = tpu.memref_reshape %dma_start3A_115 : memref<160x2x128xf32, #tpu.memory_space<vmem_shared>> -> memref<320x128xf32, #tpu.memory_space<vmem_shared>>
      tpu.enqueue_dma source(%arg10 : memref<320x128xf32, #tpu.memory_space<vmem>>) target(%dma_start3A_116 : memref<320x128xf32, #tpu.memory_space<vmem_shared>>) target_semaphore(%run_scoped3A : memref<!tpu.dma_semaphore, #tpu.memory_space<semaphore_mem>>)
      %dma_wait3A_117 = arith.constant 0 : i32
      %dma_wait3A_118 = arith.constant 0 : i32
      %dma_wait3A_119 = tpu.memref_slice %arg11[%mul3A_4, %dma_wait3A_117, %dma_wait3A_118] : memref<2560x2x128xf32, #tpu.memory_space<vmem_shared>> -> memref<160x2x128xf32, #tpu.memory_space<vmem_shared>>
      %dma_wait3A_120 = tpu.memref_reshape %dma_wait3A_119 : memref<160x2x128xf32, #tpu.memory_space<vmem_shared>> -> memref<320x128xf32, #tpu.memory_space<vmem_shared>>
      %dma_wait3A_121 = arith.constant 0 : i32
      %dma_wait3A_122 = arith.constant 0 : i32
      %dma_wait3A_123 = tpu.memref_slice %arg11[%mul3A_4, %dma_wait3A_121, %dma_wait3A_122] : memref<2560x2x128xf32, #tpu.memory_space<vmem_shared>> -> memref<160x2x128xf32, #tpu.memory_space<vmem_shared>>
      %dma_wait3A_124 = tpu.memref_reshape %dma_wait3A_123 : memref<160x2x128xf32, #tpu.memory_space<vmem_shared>> -> memref<320x128xf32, #tpu.memory_space<vmem_shared>>
      tpu.wait_dma2 semaphore(%run_scoped3A : memref<!tpu.dma_semaphore, #tpu.memory_space<semaphore_mem>>) src(%arg10 : memref<320x128xf32, #tpu.memory_space<vmem>>) dst(%dma_wait3A_124 : memref<320x128xf32, #tpu.memory_space<vmem_shared>>)
      tpu.yield
    }) : () -> ()
    %barrier3A = arith.constant 0 : index
    tpu.barrier barrier_id(%barrier3A)
    "tpu.region"() ({
      %run_scoped3A = tpu.sem_alloc : memref<!tpu.dma_semaphore, #tpu.memory_space<semaphore_mem>>
      %dma_start3A_109 = tpu.memref_slice %arg2[%mul3A_2] : memref<131072xf32, #tpu.memory_space<hbm>> -> memref<4096xf32, #tpu.memory_space<hbm>>
      %dma_start3A_110 = tpu.memref_slice %arg2[%mul3A_2] : memref<131072xf32, #tpu.memory_space<hbm>> -> memref<4096xf32, #tpu.memory_space<hbm>>
      tpu.enqueue_dma source(%dma_start3A_110 : memref<4096xf32, #tpu.memory_space<hbm>>) target(%arg6 : memref<4096xf32, #tpu.memory_space<vmem>>) target_semaphore(%run_scoped3A : memref<!tpu.dma_semaphore, #tpu.memory_space<semaphore_mem>>)
      %dma_wait3A_111 = tpu.memref_slice %arg2[%mul3A_2] : memref<131072xf32, #tpu.memory_space<hbm>> -> memref<4096xf32, #tpu.memory_space<hbm>>
      %dma_wait3A_112 = tpu.memref_slice %arg2[%mul3A_2] : memref<131072xf32, #tpu.memory_space<hbm>> -> memref<4096xf32, #tpu.memory_space<hbm>>
      tpu.wait_dma2 semaphore(%run_scoped3A : memref<!tpu.dma_semaphore, #tpu.memory_space<semaphore_mem>>) src(%dma_wait3A_112 : memref<4096xf32, #tpu.memory_space<hbm>>) dst(%arg6 : memref<4096xf32, #tpu.memory_space<vmem>>)
      tpu.yield
    }) : () -> ()
    "tpu.region"() ({
      %run_scoped3A = tpu.sem_alloc : memref<!tpu.dma_semaphore, #tpu.memory_space<semaphore_mem>>
      %dma_start3A_109 = tpu.memref_slice %arg3[%mul3A_2] : memref<131072xf32, #tpu.memory_space<hbm>> -> memref<4096xf32, #tpu.memory_space<hbm>>
      %dma_start3A_110 = tpu.memref_slice %arg3[%mul3A_2] : memref<131072xf32, #tpu.memory_space<hbm>> -> memref<4096xf32, #tpu.memory_space<hbm>>
      tpu.enqueue_dma source(%dma_start3A_110 : memref<4096xf32, #tpu.memory_space<hbm>>) target(%arg7 : memref<4096xf32, #tpu.memory_space<vmem>>) target_semaphore(%run_scoped3A : memref<!tpu.dma_semaphore, #tpu.memory_space<semaphore_mem>>)
      %dma_wait3A_111 = tpu.memref_slice %arg3[%mul3A_2] : memref<131072xf32, #tpu.memory_space<hbm>> -> memref<4096xf32, #tpu.memory_space<hbm>>
      %dma_wait3A_112 = tpu.memref_slice %arg3[%mul3A_2] : memref<131072xf32, #tpu.memory_space<hbm>> -> memref<4096xf32, #tpu.memory_space<hbm>>
      tpu.wait_dma2 semaphore(%run_scoped3A : memref<!tpu.dma_semaphore, #tpu.memory_space<semaphore_mem>>) src(%dma_wait3A_112 : memref<4096xf32, #tpu.memory_space<hbm>>) dst(%arg7 : memref<4096xf32, #tpu.memory_space<vmem>>)
      tpu.yield
    }) : () -> ()
    %scan3A_55 = arith.constant 0 : i32
    %scan3A_56 = arith.constant 256 : i32
    %scan3A_57 = arith.addi %scan3A_55, %scan3A_56 : i32
    %scan3A_58 = arith.constant 1 : i32
    scf.for %scan3A_109 = %scan3A_55 to %scan3A_57 step %scan3A_58  : i32 {
      %mul3A_110 = arith.constant 1 : i32
      %mul3A_111 = arith.muli %scan3A_109, %mul3A_110 : i32
      %add3A_112 = arith.constant 0 : i32
      %add3A_113 = arith.addi %add3A_112, %mul3A_111 : i32
      %mul3A_114 = arith.constant 16 : i32
      %mul3A_115 = arith.muli %add3A_113, %mul3A_114 : i32
      %get3A = arith.index_cast %mul3A_115 : i32 to index
      %get3A_116 = tpu.vector_load %arg6[%get3A] {strides = array<i32>} : memref<4096xf32, #tpu.memory_space<vmem>>, vector<16xf32>,
      %get3A_117 = vector.shape_cast %get3A_116 : vector<16xf32> to vector<16xf32>
      %sub3A = arith.constant -4.000000e+03 : f32
      %sub3A_118 = vector.broadcast %sub3A : f32 to vector<16xf32>
      %sub3A_119 = arith.subf %get3A_117, %sub3A_118 : vector<16xf32>
      %div3A = arith.constant 8.000000e+03 : f32
      %div3A_120 = vector.broadcast %div3A : f32 to vector<16xf32>
      %div3A_121 = arith.divf %sub3A_119, %div3A_120 : vector<16xf32>
      %jit3A = arith.constant 0.000000e+00 : f32
      %jit3A_122 = arith.constant 1.000000e+00 : f32
      %max3A = vector.broadcast %jit3A : f32 to vector<16xf32>
      %max3A_123 = arith.maximumf %max3A, %div3A_121 : vector<16xf32>
      %min3A = vector.broadcast %jit3A_122 : f32 to vector<16xf32>
      %min3A_124 = arith.minimumf %min3A, %max3A_123 : vector<16xf32>
      %mul3A_125 = arith.constant 4.900000e+01 : f32
      %mul3A_126 = vector.broadcast %mul3A_125 : f32 to vector<16xf32>
      %mul3A_127 = arith.mulf %min3A_124, %mul3A_126 : vector<16xf32>
      %convert_element_type3A = arith.fptosi %mul3A_127 : vector<16xf32> to vector<16xi32>
      %mul3A_128 = arith.constant 16 : i32
      %mul3A_129 = arith.muli %add3A_113, %mul3A_128 : i32
      %get3A_130 = arith.index_cast %mul3A_129 : i32 to index
      %get3A_131 = tpu.vector_load %arg7[%get3A_130] {strides = array<i32>} : memref<4096xf32, #tpu.memory_space<vmem>>, vector<16xf32>,
      %get3A_132 = vector.shape_cast %get3A_131 : vector<16xf32> to vector<16xf32>
      %sub3A_133 = arith.constant -4.000000e+03 : f32
      %sub3A_134 = vector.broadcast %sub3A_133 : f32 to vector<16xf32>
      %sub3A_135 = arith.subf %get3A_132, %sub3A_134 : vector<16xf32>
      %div3A_136 = arith.constant 8.000000e+03 : f32
      %div3A_137 = vector.broadcast %div3A_136 : f32 to vector<16xf32>
      %div3A_138 = arith.divf %sub3A_135, %div3A_137 : vector<16xf32>
      %jit3A_139 = arith.constant 0.000000e+00 : f32
      %jit3A_140 = arith.constant 1.000000e+00 : f32
      %max3A_141 = vector.broadcast %jit3A_139 : f32 to vector<16xf32>
      %max3A_142 = arith.maximumf %max3A_141, %div3A_138 : vector<16xf32>
      %min3A_143 = vector.broadcast %jit3A_140 : f32 to vector<16xf32>
      %min3A_144 = arith.minimumf %min3A_143, %max3A_142 : vector<16xf32>
      %mul3A_145 = arith.constant 4.900000e+01 : f32
      %mul3A_146 = vector.broadcast %mul3A_145 : f32 to vector<16xf32>
      %mul3A_147 = arith.mulf %min3A_144, %mul3A_146 : vector<16xf32>
      %convert_element_type3A_148 = arith.fptosi %mul3A_147 : vector<16xf32> to vector<16xi32>
      %mul3A_149 = arith.constant 50 : i32
      %mul3A_150 = vector.broadcast %mul3A_149 : i32 to vector<16xi32>
      %mul3A_151 = arith.muli %convert_element_type3A, %mul3A_150 : vector<16xi32>
      %add3A_152 = arith.addi %mul3A_151, %convert_element_type3A_148 : vector<16xi32>
      %mul3A_153 = arith.constant 16 : i32
      %mul3A_154 = arith.muli %add3A_113, %mul3A_153 : i32
      %swap3A = arith.index_cast %mul3A_154 : i32 to index
      %swap3A_155 = tpu.vector_load %arg8[%swap3A] {strides = array<i32>} : memref<4096xi32, #tpu.memory_space<vmem>>, vector<16xi32>,
      %swap3A_156 = vector.shape_cast %swap3A_155 : vector<16xi32> to vector<16xi32>
      %swap3A_157 = vector.shape_cast %add3A_152 : vector<16xi32> to vector<16xi32>
      tpu.vector_store %arg8[%swap3A], %swap3A_157 {strides = array<i32>} : memref<4096xi32, #tpu.memory_space<vmem>>, vector<16xi32>,
    }
    %scan3A_59 = arith.constant 256 : i32
    %dma_start3A_60 = arith.constant 0 : i32
    %dma_start3A_61 = tpu.memref_slice %arg8[%dma_start3A_60] : memref<4096xi32, #tpu.memory_space<vmem>> -> memref<32xi32, #tpu.memory_space<vmem>>
    %dma_start3A_62 = arith.constant 0 : i32
    %dma_start3A_63 = arith.constant 0 : i32
    %dma_start3A_64 = arith.constant 0 : i32
    %dma_start3A_65 = tpu.memref_slice %arg11[%dma_start3A_62, %dma_start3A_63, %dma_start3A_64] : memref<2560x2x128xf32, #tpu.memory_space<vmem_shared>> -> memref<2560x2x128xf32, #tpu.memory_space<vmem_shared>>
    tpu.enqueue_indirect_dma source(%dma_start3A_65 : memref<2560x2x128xf32, #tpu.memory_space<vmem_shared>>) target(%arg12 : memref<32x2x128xf32, #tpu.memory_space<vmem>>) offsets(%dma_start3A_61 : memref<32xi32, #tpu.memory_space<vmem>>) semaphore(%arg16 : memref<!tpu.dma_semaphore, #tpu.memory_space<semaphore_mem>>)
    %dma_start3A_66 = arith.constant 32 : i32
    %dma_start3A_67 = tpu.memref_slice %arg8[%dma_start3A_66] : memref<4096xi32, #tpu.memory_space<vmem>> -> memref<32xi32, #tpu.memory_space<vmem>>
    %dma_start3A_68 = arith.constant 0 : i32
    %dma_start3A_69 = arith.constant 0 : i32
    %dma_start3A_70 = arith.constant 0 : i32
    %dma_start3A_71 = tpu.memref_slice %arg11[%dma_start3A_68, %dma_start3A_69, %dma_start3A_70] : memref<2560x2x128xf32, #tpu.memory_space<vmem_shared>> -> memref<2560x2x128xf32, #tpu.memory_space<vmem_shared>>
    tpu.enqueue_indirect_dma source(%dma_start3A_71 : memref<2560x2x128xf32, #tpu.memory_space<vmem_shared>>) target(%arg13 : memref<32x2x128xf32, #tpu.memory_space<vmem>>) offsets(%dma_start3A_67 : memref<32xi32, #tpu.memory_space<vmem>>) semaphore(%arg17 : memref<!tpu.dma_semaphore, #tpu.memory_space<semaphore_mem>>)
    %scan3A_72 = arith.constant 0 : i32
    %scan3A_73 = arith.constant 32 : i32
    %scan3A_74 = arith.addi %scan3A_72, %scan3A_73 : i32
    %scan3A_75 = arith.constant 1 : i32
    scf.for %scan3A_109 = %scan3A_72 to %scan3A_74 step %scan3A_75  : i32 {
      %mul3A_110 = arith.constant 4 : i32
      %mul3A_111 = arith.muli %scan3A_109, %mul3A_110 : i32
      %add3A_112 = arith.constant 0 : i32
      %add3A_113 = arith.addi %add3A_112, %mul3A_111 : i32
      %add3A_114 = arith.constant 0 : i32
      %add3A_115 = arith.addi %add3A_113, %add3A_114 : i32
      %add3A_116 = arith.constant 2 : i32
      %add3A_117 = arith.addi %add3A_115, %add3A_116 : i32
      %lt3A = arith.constant 128 : i32
      %lt3A_118 = arith.cmpi slt, %add3A_117, %lt3A : i32
      %convert_element_type3A = arith.extui %lt3A_118 : i1 to i32
      %cond3A = arith.constant 0 : i32
      %cond3A_119 = arith.cmpi ne, %convert_element_type3A, %cond3A : i32
      scf.if %cond3A_119 {
        %ge3A = arith.constant 2 : i32
        %ge3A_211 = arith.cmpi sge, %add3A_115, %ge3A : i32
        %convert_element_type3A_212 = arith.extui %ge3A_211 : i1 to i32
        %cond3A_213 = arith.constant 0 : i32
        %cond3A_214 = arith.cmpi ne, %convert_element_type3A_212, %cond3A_213 : i32
        scf.if %cond3A_214 {
          %add3A_224 = arith.constant 0 : i32
          %add3A_225 = arith.addi %mul3A_2, %add3A_224 : i32
          %dma_wait3A_226 = arith.constant 0 : i32
          %dma_wait3A_227 = arith.constant 0 : i32
          %dma_wait3A_228 = tpu.memref_slice %arg5[%add3A_225, %dma_wait3A_226, %dma_wait3A_227] : memref<131072x2x128xf32, #tpu.memory_space<hbm>> -> memref<32x2x128xf32, #tpu.memory_space<hbm>>
          %dma_wait3A_229 = arith.constant 0 : i32
          %dma_wait3A_230 = arith.constant 0 : i32
          %dma_wait3A_231 = tpu.memref_slice %arg5[%add3A_225, %dma_wait3A_229, %dma_wait3A_230] : memref<131072x2x128xf32, #tpu.memory_space<hbm>> -> memref<32x2x128xf32, #tpu.memory_space<hbm>>
          tpu.wait_dma2 semaphore(%arg22 : memref<!tpu.dma_semaphore, #tpu.memory_space<semaphore_mem>>) src(%arg14 : memref<32x2x128xf32, #tpu.memory_space<vmem>>) dst(%dma_wait3A_231 : memref<32x2x128xf32, #tpu.memory_space<hbm>>)
        } else {
        }
        %add3A_215 = arith.constant 2 : i32
        %add3A_216 = arith.addi %add3A_115, %add3A_215 : i32
        %mul3A_217 = arith.constant 32 : i32
        %mul3A_218 = arith.muli %add3A_216, %mul3A_217 : i32
        %dma_start3A_219 = tpu.memref_slice %arg8[%mul3A_218] : memref<4096xi32, #tpu.memory_space<vmem>> -> memref<32xi32, #tpu.memory_space<vmem>>
        %dma_start3A_220 = arith.constant 0 : i32
        %dma_start3A_221 = arith.constant 0 : i32
        %dma_start3A_222 = arith.constant 0 : i32
        %dma_start3A_223 = tpu.memref_slice %arg11[%dma_start3A_220, %dma_start3A_221, %dma_start3A_222] : memref<2560x2x128xf32, #tpu.memory_space<vmem_shared>> -> memref<2560x2x128xf32, #tpu.memory_space<vmem_shared>>
        tpu.enqueue_indirect_dma source(%dma_start3A_223 : memref<2560x2x128xf32, #tpu.memory_space<vmem_shared>>) target(%arg14 : memref<32x2x128xf32, #tpu.memory_space<vmem>>) offsets(%dma_start3A_219 : memref<32xi32, #tpu.memory_space<vmem>>) semaphore(%arg18 : memref<!tpu.dma_semaphore, #tpu.memory_space<semaphore_mem>>)
      } else {
      }
      %mul3A_120 = arith.constant 32 : i32
      %mul3A_121 = arith.muli %add3A_115, %mul3A_120 : i32
      %dma_wait3A_122 = tpu.memref_slice %arg8[%mul3A_121] : memref<4096xi32, #tpu.memory_space<vmem>> -> memref<32xi32, #tpu.memory_space<vmem>>
      %dma_wait3A_123 = arith.constant 0 : i32
      %dma_wait3A_124 = arith.constant 0 : i32
      %dma_wait3A_125 = arith.constant 0 : i32
      %dma_wait3A_126 = tpu.memref_slice %arg11[%dma_wait3A_123, %dma_wait3A_124, %dma_wait3A_125] : memref<2560x2x128xf32, #tpu.memory_space<vmem_shared>> -> memref<2560x2x128xf32, #tpu.memory_space<vmem_shared>>
      tpu.wait_indirect_dma semaphore(%arg16 : memref<!tpu.dma_semaphore, #tpu.memory_space<semaphore_mem>>) src(%dma_wait3A_126 : memref<2560x2x128xf32, #tpu.memory_space<vmem_shared>>) dst(%arg12 : memref<32x2x128xf32, #tpu.memory_space<vmem>>)
      %mul3A_127 = arith.constant 32 : i32
      %mul3A_128 = arith.muli %add3A_115, %mul3A_127 : i32
      %add3A_129 = arith.addi %mul3A_2, %mul3A_128 : i32
      %dma_start3A_130 = arith.constant 0 : i32
      %dma_start3A_131 = arith.constant 0 : i32
      %dma_start3A_132 = tpu.memref_slice %arg5[%add3A_129, %dma_start3A_130, %dma_start3A_131] : memref<131072x2x128xf32, #tpu.memory_space<hbm>> -> memref<32x2x128xf32, #tpu.memory_space<hbm>>
      %dma_start3A_133 = arith.constant 0 : i32
      %dma_start3A_134 = arith.constant 0 : i32
      %dma_start3A_135 = tpu.memref_slice %arg5[%add3A_129, %dma_start3A_133, %dma_start3A_134] : memref<131072x2x128xf32, #tpu.memory_space<hbm>> -> memref<32x2x128xf32, #tpu.memory_space<hbm>>
      tpu.enqueue_dma source(%arg12 : memref<32x2x128xf32, #tpu.memory_space<vmem>>) target(%dma_start3A_135 : memref<32x2x128xf32, #tpu.memory_space<hbm>>) target_semaphore(%arg20 : memref<!tpu.dma_semaphore, #tpu.memory_space<semaphore_mem>>)
      %add3A_136 = arith.constant 1 : i32
      %add3A_137 = arith.addi %add3A_113, %add3A_136 : i32
      %add3A_138 = arith.constant 2 : i32
      %add3A_139 = arith.addi %add3A_137, %add3A_138 : i32
      %lt3A_140 = arith.constant 128 : i32
      %lt3A_141 = arith.cmpi slt, %add3A_139, %lt3A_140 : i32
      %convert_element_type3A_142 = arith.extui %lt3A_141 : i1 to i32
      %cond3A_143 = arith.constant 0 : i32
      %cond3A_144 = arith.cmpi ne, %convert_element_type3A_142, %cond3A_143 : i32
      scf.if %cond3A_144 {
        %ge3A = arith.constant 2 : i32
        %ge3A_211 = arith.cmpi sge, %add3A_137, %ge3A : i32
        %convert_element_type3A_212 = arith.extui %ge3A_211 : i1 to i32
        %cond3A_213 = arith.constant 0 : i32
        %cond3A_214 = arith.cmpi ne, %convert_element_type3A_212, %cond3A_213 : i32
        scf.if %cond3A_214 {
          %add3A_224 = arith.constant 0 : i32
          %add3A_225 = arith.addi %mul3A_2, %add3A_224 : i32
          %dma_wait3A_226 = arith.constant 0 : i32
          %dma_wait3A_227 = arith.constant 0 : i32
          %dma_wait3A_228 = tpu.memref_slice %arg5[%add3A_225, %dma_wait3A_226, %dma_wait3A_227] : memref<131072x2x128xf32, #tpu.memory_space<hbm>> -> memref<32x2x128xf32, #tpu.memory_space<hbm>>
          %dma_wait3A_229 = arith.constant 0 : i32
          %dma_wait3A_230 = arith.constant 0 : i32
          %dma_wait3A_231 = tpu.memref_slice %arg5[%add3A_225, %dma_wait3A_229, %dma_wait3A_230] : memref<131072x2x128xf32, #tpu.memory_space<hbm>> -> memref<32x2x128xf32, #tpu.memory_space<hbm>>
          tpu.wait_dma2 semaphore(%arg23 : memref<!tpu.dma_semaphore, #tpu.memory_space<semaphore_mem>>) src(%arg15 : memref<32x2x128xf32, #tpu.memory_space<vmem>>) dst(%dma_wait3A_231 : memref<32x2x128xf32, #tpu.memory_space<hbm>>)
        } else {
        }
        %add3A_215 = arith.constant 2 : i32
        %add3A_216 = arith.addi %add3A_137, %add3A_215 : i32
        %mul3A_217 = arith.constant 32 : i32
        %mul3A_218 = arith.muli %add3A_216, %mul3A_217 : i32
        %dma_start3A_219 = tpu.memref_slice %arg8[%mul3A_218] : memref<4096xi32, #tpu.memory_space<vmem>> -> memref<32xi32, #tpu.memory_space<vmem>>
        %dma_start3A_220 = arith.constant 0 : i32
        %dma_start3A_221 = arith.constant 0 : i32
        %dma_start3A_222 = arith.constant 0 : i32
        %dma_start3A_223 = tpu.memref_slice %arg11[%dma_start3A_220, %dma_start3A_221, %dma_start3A_222] : memref<2560x2x128xf32, #tpu.memory_space<vmem_shared>> -> memref<2560x2x128xf32, #tpu.memory_space<vmem_shared>>
        tpu.enqueue_indirect_dma source(%dma_start3A_223 : memref<2560x2x128xf32, #tpu.memory_space<vmem_shared>>) target(%arg15 : memref<32x2x128xf32, #tpu.memory_space<vmem>>) offsets(%dma_start3A_219 : memref<32xi32, #tpu.memory_space<vmem>>) semaphore(%arg19 : memref<!tpu.dma_semaphore, #tpu.memory_space<semaphore_mem>>)
      } else {
      }
      %mul3A_145 = arith.constant 32 : i32
      %mul3A_146 = arith.muli %add3A_137, %mul3A_145 : i32
      %dma_wait3A_147 = tpu.memref_slice %arg8[%mul3A_146] : memref<4096xi32, #tpu.memory_space<vmem>> -> memref<32xi32, #tpu.memory_space<vmem>>
      %dma_wait3A_148 = arith.constant 0 : i32
      %dma_wait3A_149 = arith.constant 0 : i32
      %dma_wait3A_150 = arith.constant 0 : i32
      %dma_wait3A_151 = tpu.memref_slice %arg11[%dma_wait3A_148, %dma_wait3A_149, %dma_wait3A_150] : memref<2560x2x128xf32, #tpu.memory_space<vmem_shared>> -> memref<2560x2x128xf32, #tpu.memory_space<vmem_shared>>
      tpu.wait_indirect_dma semaphore(%arg17 : memref<!tpu.dma_semaphore, #tpu.memory_space<semaphore_mem>>) src(%dma_wait3A_151 : memref<2560x2x128xf32, #tpu.memory_space<vmem_shared>>) dst(%arg13 : memref<32x2x128xf32, #tpu.memory_space<vmem>>)
      %mul3A_152 = arith.constant 32 : i32
      %mul3A_153 = arith.muli %add3A_137, %mul3A_152 : i32
      %add3A_154 = arith.addi %mul3A_2, %mul3A_153 : i32
      %dma_start3A_155 = arith.constant 0 : i32
      %dma_start3A_156 = arith.constant 0 : i32
      %dma_start3A_157 = tpu.memref_slice %arg5[%add3A_154, %dma_start3A_155, %dma_start3A_156] : memref<131072x2x128xf32, #tpu.memory_space<hbm>> -> memref<32x2x128xf32, #tpu.memory_space<hbm>>
      %dma_start3A_158 = arith.constant 0 : i32
      %dma_start3A_159 = arith.constant 0 : i32
      %dma_start3A_160 = tpu.memref_slice %arg5[%add3A_154, %dma_start3A_158, %dma_start3A_159] : memref<131072x2x128xf32, #tpu.memory_space<hbm>> -> memref<32x2x128xf32, #tpu.memory_space<hbm>>
      tpu.enqueue_dma source(%arg13 : memref<32x2x128xf32, #tpu.memory_space<vmem>>) target(%dma_start3A_160 : memref<32x2x128xf32, #tpu.memory_space<hbm>>) target_semaphore(%arg21 : memref<!tpu.dma_semaphore, #tpu.memory_space<semaphore_mem>>)
      %add3A_161 = arith.constant 2 : i32
      %add3A_162 = arith.addi %add3A_113, %add3A_161 : i32
      %add3A_163 = arith.constant 2 : i32
      %add3A_164 = arith.addi %add3A_162, %add3A_163 : i32
      %lt3A_165 = arith.constant 128 : i32
      %lt3A_166 = arith.cmpi slt, %add3A_164, %lt3A_165 : i32
      %convert_element_type3A_167 = arith.extui %lt3A_166 : i1 to i32
      %cond3A_168 = arith.constant 0 : i32
      %cond3A_169 = arith.cmpi ne, %convert_element_type3A_167, %cond3A_168 : i32
      scf.if %cond3A_169 {
        %ge3A = arith.constant 2 : i32
        %ge3A_211 = arith.cmpi sge, %add3A_162, %ge3A : i32
        %convert_element_type3A_212 = arith.extui %ge3A_211 : i1 to i32
        %cond3A_213 = arith.constant 0 : i32
        %cond3A_214 = arith.cmpi ne, %convert_element_type3A_212, %cond3A_213 : i32
        scf.if %cond3A_214 {
          %add3A_224 = arith.constant 0 : i32
          %add3A_225 = arith.addi %mul3A_2, %add3A_224 : i32
          %dma_wait3A_226 = arith.constant 0 : i32
          %dma_wait3A_227 = arith.constant 0 : i32
          %dma_wait3A_228 = tpu.memref_slice %arg5[%add3A_225, %dma_wait3A_226, %dma_wait3A_227] : memref<131072x2x128xf32, #tpu.memory_space<hbm>> -> memref<32x2x128xf32, #tpu.memory_space<hbm>>
          %dma_wait3A_229 = arith.constant 0 : i32
          %dma_wait3A_230 = arith.constant 0 : i32
          %dma_wait3A_231 = tpu.memref_slice %arg5[%add3A_225, %dma_wait3A_229, %dma_wait3A_230] : memref<131072x2x128xf32, #tpu.memory_space<hbm>> -> memref<32x2x128xf32, #tpu.memory_space<hbm>>
          tpu.wait_dma2 semaphore(%arg20 : memref<!tpu.dma_semaphore, #tpu.memory_space<semaphore_mem>>) src(%arg12 : memref<32x2x128xf32, #tpu.memory_space<vmem>>) dst(%dma_wait3A_231 : memref<32x2x128xf32, #tpu.memory_space<hbm>>)
        } else {
        }
        %add3A_215 = arith.constant 2 : i32
        %add3A_216 = arith.addi %add3A_162, %add3A_215 : i32
        %mul3A_217 = arith.constant 32 : i32
        %mul3A_218 = arith.muli %add3A_216, %mul3A_217 : i32
        %dma_start3A_219 = tpu.memref_slice %arg8[%mul3A_218] : memref<4096xi32, #tpu.memory_space<vmem>> -> memref<32xi32, #tpu.memory_space<vmem>>
        %dma_start3A_220 = arith.constant 0 : i32
        %dma_start3A_221 = arith.constant 0 : i32
        %dma_start3A_222 = arith.constant 0 : i32
        %dma_start3A_223 = tpu.memref_slice %arg11[%dma_start3A_220, %dma_start3A_221, %dma_start3A_222] : memref<2560x2x128xf32, #tpu.memory_space<vmem_shared>> -> memref<2560x2x128xf32, #tpu.memory_space<vmem_shared>>
        tpu.enqueue_indirect_dma source(%dma_start3A_223 : memref<2560x2x128xf32, #tpu.memory_space<vmem_shared>>) target(%arg12 : memref<32x2x128xf32, #tpu.memory_space<vmem>>) offsets(%dma_start3A_219 : memref<32xi32, #tpu.memory_space<vmem>>) semaphore(%arg16 : memref<!tpu.dma_semaphore, #tpu.memory_space<semaphore_mem>>)
      } else {
      }
      %mul3A_170 = arith.constant 32 : i32
      %mul3A_171 = arith.muli %add3A_162, %mul3A_170 : i32
      %dma_wait3A_172 = tpu.memref_slice %arg8[%mul3A_171] : memref<4096xi32, #tpu.memory_space<vmem>> -> memref<32xi32, #tpu.memory_space<vmem>>
      %dma_wait3A_173 = arith.constant 0 : i32
      %dma_wait3A_174 = arith.constant 0 : i32
      %dma_wait3A_175 = arith.constant 0 : i32
      %dma_wait3A_176 = tpu.memref_slice %arg11[%dma_wait3A_173, %dma_wait3A_174, %dma_wait3A_175] : memref<2560x2x128xf32, #tpu.memory_space<vmem_shared>> -> memref<2560x2x128xf32, #tpu.memory_space<vmem_shared>>
      tpu.wait_indirect_dma semaphore(%arg18 : memref<!tpu.dma_semaphore, #tpu.memory_space<semaphore_mem>>) src(%dma_wait3A_176 : memref<2560x2x128xf32, #tpu.memory_space<vmem_shared>>) dst(%arg14 : memref<32x2x128xf32, #tpu.memory_space<vmem>>)
      %mul3A_177 = arith.constant 32 : i32
      %mul3A_178 = arith.muli %add3A_162, %mul3A_177 : i32
      %add3A_179 = arith.addi %mul3A_2, %mul3A_178 : i32
      %dma_start3A_180 = arith.constant 0 : i32
      %dma_start3A_181 = arith.constant 0 : i32
      %dma_start3A_182 = tpu.memref_slice %arg5[%add3A_179, %dma_start3A_180, %dma_start3A_181] : memref<131072x2x128xf32, #tpu.memory_space<hbm>> -> memref<32x2x128xf32, #tpu.memory_space<hbm>>
      %dma_start3A_183 = arith.constant 0 : i32
      %dma_start3A_184 = arith.constant 0 : i32
      %dma_start3A_185 = tpu.memref_slice %arg5[%add3A_179, %dma_start3A_183, %dma_start3A_184] : memref<131072x2x128xf32, #tpu.memory_space<hbm>> -> memref<32x2x128xf32, #tpu.memory_space<hbm>>
      tpu.enqueue_dma source(%arg14 : memref<32x2x128xf32, #tpu.memory_space<vmem>>) target(%dma_start3A_185 : memref<32x2x128xf32, #tpu.memory_space<hbm>>) target_semaphore(%arg22 : memref<!tpu.dma_semaphore, #tpu.memory_space<semaphore_mem>>)
      %add3A_186 = arith.constant 3 : i32
      %add3A_187 = arith.addi %add3A_113, %add3A_186 : i32
      %add3A_188 = arith.constant 2 : i32
      %add3A_189 = arith.addi %add3A_187, %add3A_188 : i32
      %lt3A_190 = arith.constant 128 : i32
      %lt3A_191 = arith.cmpi slt, %add3A_189, %lt3A_190 : i32
      %convert_element_type3A_192 = arith.extui %lt3A_191 : i1 to i32
      %cond3A_193 = arith.constant 0 : i32
      %cond3A_194 = arith.cmpi ne, %convert_element_type3A_192, %cond3A_193 : i32
      scf.if %cond3A_194 {
        %ge3A = arith.constant 2 : i32
        %ge3A_211 = arith.cmpi sge, %add3A_187, %ge3A : i32
        %convert_element_type3A_212 = arith.extui %ge3A_211 : i1 to i32
        %cond3A_213 = arith.constant 0 : i32
        %cond3A_214 = arith.cmpi ne, %convert_element_type3A_212, %cond3A_213 : i32
        scf.if %cond3A_214 {
          %add3A_224 = arith.constant 0 : i32
          %add3A_225 = arith.addi %mul3A_2, %add3A_224 : i32
          %dma_wait3A_226 = arith.constant 0 : i32
          %dma_wait3A_227 = arith.constant 0 : i32
          %dma_wait3A_228 = tpu.memref_slice %arg5[%add3A_225, %dma_wait3A_226, %dma_wait3A_227] : memref<131072x2x128xf32, #tpu.memory_space<hbm>> -> memref<32x2x128xf32, #tpu.memory_space<hbm>>
          %dma_wait3A_229 = arith.constant 0 : i32
          %dma_wait3A_230 = arith.constant 0 : i32
          %dma_wait3A_231 = tpu.memref_slice %arg5[%add3A_225, %dma_wait3A_229, %dma_wait3A_230] : memref<131072x2x128xf32, #tpu.memory_space<hbm>> -> memref<32x2x128xf32, #tpu.memory_space<hbm>>
          tpu.wait_dma2 semaphore(%arg21 : memref<!tpu.dma_semaphore, #tpu.memory_space<semaphore_mem>>) src(%arg13 : memref<32x2x128xf32, #tpu.memory_space<vmem>>) dst(%dma_wait3A_231 : memref<32x2x128xf32, #tpu.memory_space<hbm>>)
        } else {
        }
        %add3A_215 = arith.constant 2 : i32
        %add3A_216 = arith.addi %add3A_187, %add3A_215 : i32
        %mul3A_217 = arith.constant 32 : i32
        %mul3A_218 = arith.muli %add3A_216, %mul3A_217 : i32
        %dma_start3A_219 = tpu.memref_slice %arg8[%mul3A_218] : memref<4096xi32, #tpu.memory_space<vmem>> -> memref<32xi32, #tpu.memory_space<vmem>>
        %dma_start3A_220 = arith.constant 0 : i32
        %dma_start3A_221 = arith.constant 0 : i32
        %dma_start3A_222 = arith.constant 0 : i32
        %dma_start3A_223 = tpu.memref_slice %arg11[%dma_start3A_220, %dma_start3A_221, %dma_start3A_222] : memref<2560x2x128xf32, #tpu.memory_space<vmem_shared>> -> memref<2560x2x128xf32, #tpu.memory_space<vmem_shared>>
        tpu.enqueue_indirect_dma source(%dma_start3A_223 : memref<2560x2x128xf32, #tpu.memory_space<vmem_shared>>) target(%arg13 : memref<32x2x128xf32, #tpu.memory_space<vmem>>) offsets(%dma_start3A_219 : memref<32xi32, #tpu.memory_space<vmem>>) semaphore(%arg17 : memref<!tpu.dma_semaphore, #tpu.memory_space<semaphore_mem>>)
      } else {
      }
      %mul3A_195 = arith.constant 32 : i32
      %mul3A_196 = arith.muli %add3A_187, %mul3A_195 : i32
      %dma_wait3A_197 = tpu.memref_slice %arg8[%mul3A_196] : memref<4096xi32, #tpu.memory_space<vmem>> -> memref<32xi32, #tpu.memory_space<vmem>>
      %dma_wait3A_198 = arith.constant 0 : i32
      %dma_wait3A_199 = arith.constant 0 : i32
      %dma_wait3A_200 = arith.constant 0 : i32
      %dma_wait3A_201 = tpu.memref_slice %arg11[%dma_wait3A_198, %dma_wait3A_199, %dma_wait3A_200] : memref<2560x2x128xf32, #tpu.memory_space<vmem_shared>> -> memref<2560x2x128xf32, #tpu.memory_space<vmem_shared>>
      tpu.wait_indirect_dma semaphore(%arg19 : memref<!tpu.dma_semaphore, #tpu.memory_space<semaphore_mem>>) src(%dma_wait3A_201 : memref<2560x2x128xf32, #tpu.memory_space<vmem_shared>>) dst(%arg15 : memref<32x2x128xf32, #tpu.memory_space<vmem>>)
      %mul3A_202 = arith.constant 32 : i32
      %mul3A_203 = arith.muli %add3A_187, %mul3A_202 : i32
      %add3A_204 = arith.addi %mul3A_2, %mul3A_203 : i32
      %dma_start3A_205 = arith.constant 0 : i32
      %dma_start3A_206 = arith.constant 0 : i32
      %dma_start3A_207 = tpu.memref_slice %arg5[%add3A_204, %dma_start3A_205, %dma_start3A_206] : memref<131072x2x128xf32, #tpu.memory_space<hbm>> -> memref<32x2x128xf32, #tpu.memory_space<hbm>>
      %dma_start3A_208 = arith.constant 0 : i32
      %dma_start3A_209 = arith.constant 0 : i32
      %dma_start3A_210 = tpu.memref_slice %arg5[%add3A_204, %dma_start3A_208, %dma_start3A_209] : memref<131072x2x128xf32, #tpu.memory_space<hbm>> -> memref<32x2x128xf32, #tpu.memory_space<hbm>>
      tpu.enqueue_dma source(%arg15 : memref<32x2x128xf32, #tpu.memory_space<vmem>>) target(%dma_start3A_210 : memref<32x2x128xf32, #tpu.memory_space<hbm>>) target_semaphore(%arg23 : memref<!tpu.dma_semaphore, #tpu.memory_space<semaphore_mem>>)
    }
    %scan3A_76 = arith.constant 32 : i32
    %add3A_77 = arith.constant 0 : i32
    %add3A_78 = arith.addi %mul3A_2, %add3A_77 : i32
    %dma_wait3A_79 = arith.constant 0 : i32
    %dma_wait3A_80 = arith.constant 0 : i32
    %dma_wait3A_81 = tpu.memref_slice %arg5[%add3A_78, %dma_wait3A_79, %dma_wait3A_80] : memref<131072x2x128xf32, #tpu.memory_space<hbm>> -> memref<32x2x128xf32, #tpu.memory_space<hbm>>
    %dma_wait3A_82 = arith.constant 0 : i32
    %dma_wait3A_83 = arith.constant 0 : i32
    %dma_wait3A_84 = tpu.memref_slice %arg5[%add3A_78, %dma_wait3A_82, %dma_wait3A_83] : memref<131072x2x128xf32, #tpu.memory_space<hbm>> -> memref<32x2x128xf32, #tpu.memory_space<hbm>>
    tpu.wait_dma2 semaphore(%arg20 : memref<!tpu.dma_semaphore, #tpu.memory_space<semaphore_mem>>) src(%arg12 : memref<32x2x128xf32, #tpu.memory_space<vmem>>) dst(%dma_wait3A_84 : memref<32x2x128xf32, #tpu.memory_space<hbm>>)
    %add3A_85 = arith.constant 0 : i32
    %add3A_86 = arith.addi %mul3A_2, %add3A_85 : i32
    %dma_wait3A_87 = arith.constant 0 : i32
    %dma_wait3A_88 = arith.constant 0 : i32
    %dma_wait3A_89 = tpu.memref_slice %arg5[%add3A_86, %dma_wait3A_87, %dma_wait3A_88] : memref<131072x2x128xf32, #tpu.memory_space<hbm>> -> memref<32x2x128xf32, #tpu.memory_space<hbm>>
    %dma_wait3A_90 = arith.constant 0 : i32
    %dma_wait3A_91 = arith.constant 0 : i32
    %dma_wait3A_92 = tpu.memref_slice %arg5[%add3A_86, %dma_wait3A_90, %dma_wait3A_91] : memref<131072x2x128xf32, #tpu.memory_space<hbm>> -> memref<32x2x128xf32, #tpu.memory_space<hbm>>
    tpu.wait_dma2 semaphore(%arg21 : memref<!tpu.dma_semaphore, #tpu.memory_space<semaphore_mem>>) src(%arg13 : memref<32x2x128xf32, #tpu.memory_space<vmem>>) dst(%dma_wait3A_92 : memref<32x2x128xf32, #tpu.memory_space<hbm>>)
    %add3A_93 = arith.constant 0 : i32
    %add3A_94 = arith.addi %mul3A_2, %add3A_93 : i32
    %dma_wait3A_95 = arith.constant 0 : i32
    %dma_wait3A_96 = arith.constant 0 : i32
    %dma_wait3A_97 = tpu.memref_slice %arg5[%add3A_94, %dma_wait3A_95, %dma_wait3A_96] : memref<131072x2x128xf32, #tpu.memory_space<hbm>> -> memref<32x2x128xf32, #tpu.memory_space<hbm>>
    %dma_wait3A_98 = arith.constant 0 : i32
    %dma_wait3A_99 = arith.constant 0 : i32
    %dma_wait3A_100 = tpu.memref_slice %arg5[%add3A_94, %dma_wait3A_98, %dma_wait3A_99] : memref<131072x2x128xf32, #tpu.memory_space<hbm>> -> memref<32x2x128xf32, #tpu.memory_space<hbm>>
    tpu.wait_dma2 semaphore(%arg22 : memref<!tpu.dma_semaphore, #tpu.memory_space<semaphore_mem>>) src(%arg14 : memref<32x2x128xf32, #tpu.memory_space<vmem>>) dst(%dma_wait3A_100 : memref<32x2x128xf32, #tpu.memory_space<hbm>>)
    %add3A_101 = arith.constant 0 : i32
    %add3A_102 = arith.addi %mul3A_2, %add3A_101 : i32
    %dma_wait3A_103 = arith.constant 0 : i32
    %dma_wait3A_104 = arith.constant 0 : i32
    %dma_wait3A_105 = tpu.memref_slice %arg5[%add3A_102, %dma_wait3A_103, %dma_wait3A_104] : memref<131072x2x128xf32, #tpu.memory_space<hbm>> -> memref<32x2x128xf32, #tpu.memory_space<hbm>>
    %dma_wait3A_106 = arith.constant 0 : i32
    %dma_wait3A_107 = arith.constant 0 : i32
    %dma_wait3A_108 = tpu.memref_slice %arg5[%add3A_102, %dma_wait3A_106, %dma_wait3A_107] : memref<131072x2x128xf32, #tpu.memory_space<hbm>> -> memref<32x2x128xf32, #tpu.memory_space<hbm>>
    tpu.wait_dma2 semaphore(%arg23 : memref<!tpu.dma_semaphore, #tpu.memory_space<semaphore_mem>>) src(%arg15 : memref<32x2x128xf32, #tpu.memory_space<vmem>>) dst(%dma_wait3A_108 : memref<32x2x128xf32, #tpu.memory_space<hbm>>)
    return
  }
}

</mosaic_0001>

<sc_bundles>
// kernel: pos_encode_sc.3.cloned.1.call-start
scs
__scs_entry_jumppad:
0x0: {  	(pc) =	sbr.rel $0x88, $3  }
0x1: {  	(tag) =	ssettag $0x0;
	lr =	simm.s32 $0x1  }
0x2: {  	[smem:$0x3F9E] =	sst lr;
	_ =	strace $0xD0000000  }
0x3: {  	_ = 	snop  }
0x4: {  	_ = 	snop  }
0x5: {  	_ = 	snop  }
0x6: {  	_ = 	snop  }
0x7: {  	_ = 	snop  }
__scs_overlays_trampoline_lowered:
0x8: {  	[smem:$0x3FAD] =	sst s0  }
0x9: {  	[smem:$0x3FAE] =	sst s1  }
0xa: {  	[smem:$0x3FAF] =	sst s2  }
0xb: {  	[smem:$0x3FB0] =	sst s3  }
0xc: {  	[smem:$0x3FB1] =	sst s4  }
0xd: {  	[smem:$0x3FB2] =	sst s5  }
0xe: {  	[smem:$0x3FB3] =	sst s6  }
0xf: {  	[smem:$0x3FB4] =	sst s7  }
0x10: {  	[smem:$0x3FB5] =	sst s8  }
0x11: {  	[smem:$0x3FB6] =	sst s9;
	s0 =	simm.s32 @!p0 $0x0  }
0x12: {  	s1 =	sld [smem:$0x3F9C];
	s0 =	simm.s32 @p0 $0x1  }
0x13: {  	[smem:$0x3FB7] =	sst s0;
	s0 =	simm.s32 @!p1 $0x0  }
0x14: {  	s2 =	sld [smem:$0x3F9B];
	s0 =	simm.s32 @p1 $0x1  }
0x15: {  	[smem:$0x3FB8] =	sst s0;
	s0 =	simm.s32 @!p2 $0x0  }
0x16: {  	s3 =	sld [smem:$0x3FDB];
	s0 =	simm.s32 @p2 $0x1  }
0x17: {  	s4 =	simm.s32 $0x1BF5;
	[smem:$0x3FBA] =	sst s0  }
0x18: {  	s0 =	sld [smem:$0x3F9D];
	_ =	swait.ge [sflag:s4], $0x0  }
0x19: {  	s7 =	sld [smem:$0x3F9E]  }
0x1a: {  	s8 =	sadd.s32 $0xFFFFE003, lr  }
0x1b: {  	s9 =	sadd.s32 $0xFFFFFEF7, lr;
	s5 =	simm.s32 $0xFFFFFFFF;
	p2 =	slt.u32 s8, $0xFFFFF086  }
0x1c: {  	p1 =	slt.u32 s9, $0xF7A;
	s5 =	simm.s32 @!p2 $0x0  }
0x1d: {  	s5 =	simm.s32 @p1 $0x1;
	p0 =	seq.s32 s7, s2  }
0x1e: {  	s7 =	smul.u32 @!p0 $0xF7A, s2;
	p2 =	seq.s32 @!p0 s5, $0x0  }
0x1f: {  	s9 =	smul.u32 $0xF7A, s1;
	s8 =	simm.s32 @!p0 $0x1BF5;
	p2 =	por !p2, p0  }
0x20: {  	[sflag:s8] =	ssyncset.s32 @!p0 $0xFFFFF086;
	s6 =	sadd.s32 @!p0 s3, s7;
	s7 =	simm.s32 @!p0 $0x108  }
0x21: {  	s3 =	sadd.s32 s3, s9;
	s6 =	sadd.s32 @!p0 $0x88, s6;
	s7 =	simm.s32 @p2 $0x1082  }
0x22: {  	[simem:s7], [sflag:s8] =	dma.local @!p0 [hbm:s6], $0xF7A  }
0x23: {  	s9 =	sor.u32 $0xD0000000, s2;
	s6 =	simm.s32 $0x108;
	_ =	swait.ge @!p0 [sflag:s8], $0x0  }
0x24: {  	s3 =	sadd.s32 $0x88, s3;
	s6 =	simm.s32 @!p1 $0x1082;
	[sflag:s4] =	ssyncset.s32 $0xFFFFF086  }
0x25: {  	[simem:s6], [sflag:s4] =	dma.local [hbm:s3], $0xF7A  }
0x26: {  	[smem:$0x3F9E] =	sst s1;
	(tag) =	ssettag s2;
	_ =	strace s9  }
0x27: {  	s1 =	sld [smem:$0x3FAE]  }
0x28: {  	s2 =	sld [smem:$0x3FAF]  }
0x29: {  	s4 =	sld [smem:$0x3FB1]  }
0x2a: {  	p0 =	seq.s32 s5, $0x0;
	s5 =	sld [smem:$0x3FB2]  }
0x2b: {  	s6 =	sld [smem:$0x3FB3]  }
0x2c: {  	s7 =	sld [smem:$0x3FB4]  }
0x2d: {  	s3 =	simm.s32 $0x108;
	s8 =	sld [smem:$0x3FB5]  }
0x2e: {  	s3 =	simm.s32 @!p0 $0x1082;
	s9 =	sld [smem:$0x3FB6]  }
0x2f: {  	lr =	sadd.s32 s0, s3;
	s0 =	sld [smem:$0x3FAD]  }
0x30: {  	s3 =	sld [smem:$0x3FB0]  }
0x31: {  	[smem:$0x3FB9] =	sst s10  }
0x32: {  	s10 =	sld [smem:$0x3FB7];
	_ =	sdelay $0x3  }
0x33: {  	p0 =	seq.s32 s10, $0x1;
	s10 =	sld [smem:$0x3FB9];
	_ =	sdelay $0x3  }
0x34: {  	[smem:$0x3FB9] =	sst s10  }
0x35: {  	s10 =	sld [smem:$0x3FB8];
	_ =	sdelay $0x3  }
0x36: {  	p1 =	seq.s32 s10, $0x1;
	s10 =	sld [smem:$0x3FB9];
	_ =	sdelay $0x3  }
0x37: {  	[smem:$0x3FB9] =	sst s10  }
0x38: {  	s10 =	sld [smem:$0x3FBA]  }
0x39: {  	_ = 	snop;
	(pc) =	sbr.ind lr, $3  }
0x3a: {  	_ = 	snop  }
0x3b: {  	_ = 	snop  }
0x3c: {  	p2 =	seq.s32 s10, $0x1;
	s10 =	sld [smem:$0x3FB9]  }
0x3d: {  	_ =	shalt  }
0x3e: {  	_ =	shalt  }
0x3f: {  	_ =	shalt  }
0x40: {  	_ =	shalt  }
0x41: {  	_ =	shalt  }
0x42: {  	_ =	shalt  }
0x43: {  	_ =	shalt  }
0x44: {  	_ =	shalt  }
0x45: {  	_ =	shalt  }
0x46: {  	_ =	shalt  }
0x47: {  	_ =	shalt  }
0x48: {  	_ =	shalt  }
0x49: {  	_ =	shalt  }
0x4a: {  	_ =	shalt  }
0x4b: {  	_ =	shalt  }
0x4c: {  	_ =	shalt  }
0x4d: {  	_ =	shalt  }
0x4e: {  	_ =	shalt  }
0x4f: {  	_ =	shalt  }
0x50: {  	_ =	shalt  }
0x51: {  	_ =	shalt  }
0x52: {  	_ =	shalt  }
0x53: {  	_ =	shalt  }
0x54: {  	_ =	shalt  }
0x55: {  	_ =	shalt  }
0x56: {  	_ =	shalt  }
0x57: {  	_ =	shalt  }
0x58: {  	_ =	shalt  }
0x59: {  	_ =	shalt  }
0x5a: {  	_ =	shalt  }
0x5b: {  	_ =	shalt  }
0x5c: {  	_ =	shalt  }
0x5d: {  	_ =	shalt  }
0x5e: {  	_ =	shalt  }
0x5f: {  	_ =	shalt  }
0x60: {  	_ =	shalt  }
0x61: {  	_ =	shalt  }
0x62: {  	_ =	shalt  }
0x63: {  	_ =	shalt  }
0x64: {  	_ =	shalt  }
0x65: {  	_ =	shalt  }
0x66: {  	_ =	shalt  }
0x67: {  	_ =	shalt  }
0x68: {  	_ =	shalt  }
0x69: {  	_ =	shalt  }
0x6a: {  	_ =	shalt  }
0x6b: {  	_ =	shalt  }
0x6c: {  	_ =	shalt  }
0x6d: {  	_ =	shalt  }
0x6e: {  	_ =	shalt  }
0x6f: {  	_ =	shalt  }
0x70: {  	_ =	shalt  }
0x71: {  	_ =	shalt  }
0x72: {  	_ =	shalt  }
0x73: {  	_ =	shalt  }
0x74: {  	_ =	shalt  }
0x75: {  	_ =	shalt  }
0x76: {  	_ =	shalt  }
0x77: {  	_ =	shalt  }
0x78: {  	_ =	shalt  }
0x79: {  	_ =	shalt  }
0x7a: {  	_ =	shalt  }
0x7b: {  	_ =	shalt  }
0x7c: {  	_ =	shalt  }
0x7d: {  	_ =	shalt  }
0x7e: {  	_ =	shalt  }
0x7f: {  	_ =	shalt  }
0x80: {  	_ =	shalt  }
0x81: {  	_ =	shalt  }
0x82: {  	_ =	shalt  }
0x83: {  	_ =	shalt  }
0x84: {  	_ =	shalt  }
0x85: {  	_ =	shalt  }
0x86: {  	_ =	shalt  }
0x87: {  	_ =	shalt  }
.Lfunc_end0:
.L_simem_size_0:
called_computation_lowered:
.L_overlay_start_0:
0x88: {  	s2 =	sld [smem:$0x3FD9]  }
0x89: {  	s3 =	sld [smem:$0x3FFE];
	_ =	sdelay $0x1  }
0x8a: {  	s1 =	srdreg.scid  }
0x8b: {  	s0 =	sand.u32 $0x1, s1  }
0x8c: {  	s18 =	sshll.u32 s0, $0xA;
	s2 =	sadd.s32 s3, s2  }
0x8d: {  	s2 =	sadd.s32 s2, s18  }
0x8e: {  	[smem:$0x3FC5] =	sst s2  }
0x8f: {  	_ = 	snop  }
0x90: {  	s2 =	sld [smem:$0x3FC9]  }
0x91: {  	s19 =	sld [smem:$0x3FC8]  }
0x92: {  	s4 =	sld [smem:$0x3FC7]  }
0x93: {  	s5 =	sld [smem:$0x3FD0];
	(tm) =	ssettm $0x1  }
0x94: {  	s6 =	sld [smem:$0x3FFB];
	_ =	sdelay $0x3  }
0x95: {  	_ =	strace s6  }
0x96: {  	s6 =	sld [smem:$0x3FFC];
	_ =	sdelay $0x3  }
0x97: {  	_ =	strace s6  }
0x98: {  	s6 =	sld [smem:$0x3FFD];
	_ =	sdelay $0x3  }
0x99: {  	_ =	strace s6  }
0x9a: {  	_ =	strace $0x8FFFFFFF  }
0x9b: {  	s20 =	sld [smem:$0x3FDB];
	_ =	sdelay $0x1  }
0x9c: {  	s7 =	simm.s32 $_scs_section_size  }
0x9d: {  	s8 =	simm.s32 $_size__tile_overlayer_lowered;
	s9 =	simm.s32 $_tile_overlayer_lowered  }
0x9e: {  	s23 =	simm.s32 $0x1BFF;
	s22 =	sshll.u32 s9, $0x1;
	s6 =	sadd.s32 s7, s20  }
0x9f: {  	s10 =	simm.s32 $0x0;
	s21 =	sshll.u32 s8, $0x1;
	s8 =	sadd.s32 s22, s6  }
0xa0: {  	[timem:s10], [sflag:s23] =	dma.local [hbm:s8], s21  }
0xa1: {  	_ =	swait.ge [sflag:s23], s21  }
0xa2: {  	s7 =	ssub.s32 $0x0, s21;
	[sflag:s23] =	ssyncset.done $0x0  }
0xa3: {  	[sflag:s23] =	ssyncadd.s32 s7;
	_ =	sdelay $0x1  }
0xa4: {  	s24 =	simm.s32 $0x1B8B  }
0xa5: {  	_ =	swait.ge [sflag:s24], $0x1  }
0xa6: {  	[sflag:s24] =	ssyncset.done $0x0  }
0xa7: {  	s25 =	simm.s32 $0x1B8E;
	[sflag:s24] =	ssyncadd.s32 $0xFFFFFFFF  }
0xa8: {  	s26 =	simm.s32 $execute0_lowered;
	[smem:$0x3FD2] =	sst s25  }
0xa9: {  	s7 =	sshll.u32 s26, $0x1;
	_ =	strace $0x80000046;
	[dreg:$0x1] =	wrdreg $0xFFFFFFFF  }
0xaa: {  	s28 =	simm.s32 $_size_execute0_lowered;
	s6 =	sadd.s32 s6, s7;
	[dreg:$0x0] =	wrdreg $0x0  }
0xab: {  	s7 =	sshll.u32 s28, $0x1;
	[dreg:$0x2] =	wrdreg s6  }
0xac: {  	[dreg:$0x3] =	wrdreg s7  }
0xad: {  	[dreg:$0x4] =	wrdreg $0xC0  }
0xae: {  	_ =	task [dreg:s10], $0x5FFFF  }
0xaf: {  	[dreg:$0x1] =	wrdreg $0xFFFFFFFF  }
0xb0: {  	[dreg:$0x0] =	wrdreg $0x60  }
0xb1: {  	[dreg:$0x2] =	wrdreg s2  }
0xb2: {  	[dreg:$0x3] =	wrdreg s19  }
0xb3: {  	[dreg:$0x4] =	wrdreg s4  }
0xb4: {  	[dreg:$0x5] =	wrdreg s5  }
0xb5: {  	[dreg:$0x6] =	wrdreg $0xD1800  }
0xb6: {  	[dreg:$0x7] =	wrdreg $0x9  }
0xb7: {  	_ =	task.clear_ibuf [dreg:s10], $0x8FFFF;
	_ =	strace $0x90000046  }
0xb8: {  	s29 =	simm.s32 $0x9;
	_ =	strace $0x80000048  }
0xb9: {  	_ =	swait.ge [sflag:s29], $0x1  }
0xba: {  	[sflag:s29] =	ssyncadd.s32 $0xFFFFFFFF  }
0xbb: {  	_ =	strace $0x90000048  }
0xbc: {  	_ =	sfence  }
0xbd: {  	s30 =	sld [smem:$0x0];
	_ =	sdelay $0x2  }
0xbe: {  	s31 =	sshll.u32 s1, $0xD;
	s1 =	sshrl.u32 s1, $0x2  }
0xbf: {  	s3 =	sand.u32 $0x4000, s31;
	s1 =	sadd.s32 s1, s30  }
0xc0: {  	s0 =	sor.u32 s3, s0;
	s1 =	sshll.u32 s1, $0x11  }
0xc1: {  	s0 =	sor.u32 s1, s0  }
0xc2: {  	s0 =	sadd.s32 $0x8F2B, s0  }
0xc3: {  	[sflag:s0] =	ssyncadd.remote.s32 $0x1  }
0xc4: {  	_ =	sfence.sel $0xFFFF  }
0xc5: {  	[dreg:$0x0] =	wrdreg $0xFFFFFFFF;
	(pc) =	sbr.abs _section_cstart, $3  }
0xc6: {  	[dreg:$0x1] =	wrdreg $0xFFFFFFFF  }
0xc7: {  	_ =	task.clear_ibuf [dreg:s10], $0x2FFFF;
	_ =	strace $0x9FFFFFFF  }
0xc8: {  	(tm) =	ssettm $0x7FFFFFFF  }
0xc9: {  	_ =	shalt  }
tec
execute0_lowered:
.L_overlay_start_1:
0x0: {  	(tag) =	ssettag $0x1  }
0x1: {  	s0 =	rddreg [dreg:$0x0]  }
0x2: {  	s3 =	rddreg [dreg:$0x1]  }
0x3: {  	s1 =	rddreg [dreg:$0x2]  }
0x4: {  	s10 =	rddreg [dreg:$0x3]  }
0x5: {  	s2 =	rddreg [dreg:$0x4]  }
0x6: {  	s4 =	simm.s32 $0x0;
	s5 =	srdreg.scid;
	s13 =	stileid.u32  }
0x7: {  	s14 =	simm.s32 $0x1;
	s26 =	simm.s32 $0x1B180;
	s28 =	simm.s32 $0x1D180  }
0x8: {  	s29 =	simm.s32 $0x2;
	s30 =	simm.s32 $0x4;
	s31 =	simm.s32 $0x5  }
0x9: {  	s15 =	simm.s32 $0x0;
	[smem:$0x7FF] =	sst s4;
	s11 =	sand.u32 $0x1, s5  }
0xa: {  	s6 =	sshll.u32 s13, $0xD;
	s19 =	smul.u32 $0x28000, s13;
	s23 =	sshll.u32 s13, $0x12  }
0xb: {  	v0 =	vimm.f32 $8.000000000e+03;
	_ =	strace $0x80000047;
	s5 =	ssub.s32 $0x2, s11;
	s7 =	sshll.u32 s11, $0xC  }
0xc: {  	s25 =	sshll.u32 s11, $0x11;
	[dreg:$0x6] =	wrdreg s26;
	s26 =	simm.s32 $0x19180;
	(erf) = vrcp.f32 v0  }
0xd: {  	s8 =	sshrl.u32 s5, $0x1;
	s6 =	sor.u32 s7, s6;
	s7 =	sshrl.u32 s19, $0x2  }
0xe: {  	vm0 =	vcmask $0xB08;
	vm1 =	vcmask $0x300;
	s9 =	ssub.s32 s5, s8;
	s5 =	smul.u32 $0x140, s13;
	s20 =	sshll.u32 s6, $0x5  }
0xf: {  	vm0 =	vmor vm1, vm0;
	vm1 =	vcmask $0x1310;
	s12 =	sshrl.u32 s6, $0x3;
	s21 =	sadd.s32 s7, s2;
	s13 =	simm.s32 $0x3180  }
0x10: {  	vm0 =	vmor vm0, vm1;
	vm1 =	vcmask $0x1B18;
	s8 =	sadd.s32 s20, s10;
	[dreg:$0x8] =	wrdreg s21;
	s0 =	sadd.s32 s0, s12  }
0x11: {  	vm0 =	vmor vm0, vm1;
	vm1 =	vcmask $0x2320;
	s3 =	sadd.s32 s3, s12;
	s24 =	smax.u32 s9, $0x1;
	[dreg:$0x9] =	wrdreg s0  }
0x12: {  	vm0 =	vmor vm0, vm1;
	vm1 =	vcmask $0x2B28;
	s20 =	simm.s32 $0x9;
	s12 =	simm.s32 $0x8;
	[dreg:$0xa] =	wrdreg s3  }
0x13: {  	vm0 =	vmor vm0, vm1;
	vm1 =	vcmask $0x3330;
	s22 =	sadd.s32 $0x1F800, s8;
	[dreg:$0xb] =	wrdreg s24;
	s0 =	sadd.s32 s23, s10  }
0x14: {  	s24 =	simm.s32 $0x17180;
	vm0 =	vmor vm0, vm1;
	vm1 =	vcmask $0x3B38;
	s3 =	simm.s32 $0x7;
	[dreg:$0x7] =	wrdreg s22  }
0x15: {  	v1 =	vlaneseq.u32;
	s10 =	sadd.s32 s25, s0;
	s22 =	simm.s32 $0x20;
	s0 =	simm.s32 $0x6;
	vm0 =	vmor vm0, vm1;
	v0 =	vpop (erf)  }
.LBB2_1:
0x16: {  	v2 =	vor.u32 s5, v1  }
0x17: {  	v2 =	vshrl.u32 v2, $0x1  }
0x18: {  	v3 =	vmul.u32 $0x51F, v2;
	_ =	sdelay $0x1  }
0x19: {  	v3 =	vshrl.u32 v3, $0x10  }
0x1a: {  	s17 =	simm.s32 $0x40;
	s18 =	sadd.s32 $0x10, s5;
	s16 =	simm.s32 $0x0;
	v4 =	vmul.u32 $0xFFFFFFCE, v3  }
.LBB2_2:
0x1b: {  	v5 =	vor.u32 s18, v1;
	p0 =	sne.s32 s17, $0x4C0;
	s19 =	smov.u32 s17;
	s17 =	sadd.s32 $0x40, s17  }
.Ltmp0:
0x1c: {  	v4 =	vadd.s32 v4, v2;
	v2 =	vshrl.u32 v5, $0x1;
	(pc) =	sbr.rel @p0 .LBB2_2-.Ltmp0, $4  }
0x1d: {  	v3 =	vmin.u32 v3, $0x31;
	v5 =	vmul.u32 $0x51F, v2;
	v4 =	vadd.s32 $0x32, v4  }
0x1e: {  	s21 =	sshra.s32 s16, $0x2;
	s16 =	smov.u32 s19;
	v4 =	vsel vm0, v3, v4  }
0x1f: {  	v3 =	vshrl.u32 v5, $0x10;
	[tilespmem:s21+$0x3000] =	vst v4  }
0x20: {  	s18 =	sadd.s32 $0x10, s18;
	v4 =	vmul.u32 $0xFFFFFFCE, v3  }
0x21: {  	_ = 	snop  }
0x22: {  	v2 =	vadd.s32 v4, v2  }
0x23: {  	v3 =	vmin.u32 v3, $0x31;
	v2 =	vadd.s32 $0x32, v2  }
0x24: {  	s16 =	sshra.s32 s16, $0x2;
	v2 =	vsel vm0, v3, v2  }
0x25: {  	s6 =	simm.s32 $0x80;
	s7 =	simm.s32 $0x3000;
	[tilespmem:s16+$0x3000] =	vst v2  }
0x26: {  	[tilespmem:s13], [sflag:$0x1] =	stream.indirect.gather [hbm4b:s1+s6], $0x80, s7, s6, $0xb8;
	[tilespmem:$0x1F180] =	vst v63  }
0x27: {  	_ =	swait.ge [sflag:s14], $0x4000  }
0x28: {  	[sflag:s14] =	ssyncset.done $0x0  }
0x29: {  	s9 =	simm.s32 $0x3080;
	s8 =	simm.s32 $0x7180;
	[sflag:s14] =	ssyncadd.s32 $0xFFFFC000  }
0x2a: {  	[tilespmem:s8], [sflag:$0x1] =	stream.indirect.gather [hbm4b:s1+s6], $0x80, s9, s6, $0xb8;
	[tilespmem:$0x1F180] =	vst v63  }
0x2b: {  	_ =	swait.ge [sflag:s14], $0x4000  }
0x2c: {  	s11 =	simm.s32 $0x40;
	[sflag:s14] =	ssyncset.done $0x0  }
0x2d: {  	s17 =	simm.s32 $0xB180;
	s16 =	simm.s32 $0x3100;
	[sflag:s14] =	ssyncadd.s32 $0xFFFFC000  }
0x2e: {  	[tilespmem:s17], [sflag:$0x1] =	stream.indirect.gather [hbm4b:s1+s11], $0x80, s16, s11, $0xb8;
	[tilespmem:$0x1F180] =	vst v63  }
0x2f: {  	_ =	swait.ge [sflag:s14], $0x2000  }
0x30: {  	[sflag:s14] =	ssyncset.done $0x0  }
0x31: {  	s18 =	rddreg [dreg:$0x8];
	[sflag:s14] =	ssyncadd.s32 $0xFFFFE000  }
0x32: {  	[spmem:s18] =	stream.linear.scatter [tilespmem:s13], [sflag:$0x9], $0xA000, $0x38;
	[tilespmem:$0x1F180] =	vst v63  }
0x33: {  	_ =	swait.ge [sflag:s20], $0xA000  }
0x34: {  	[sflag:s20] =	ssyncset.done $0x0  }
0x35: {  	[sflag:s20] =	ssyncadd.s32 $0xFFFF6000  }
0x36: {  	[bflag:$0x0] =	sbarrier.arrive $0xFFFF  }
0x37: {  	s19 =	simm.s32 $0x0;
	s21 =	rddreg [dreg:$0x9]  }
0x38: {  	[tilespmem:s19], [sflag:$0x9] =	stream.linear.gather [hbm4b:s21+s19], $0x1000, $0x38;
	[tilespmem:$0x1F180] =	vst v63  }
0x39: {  	_ =	swait.ge [sflag:s20], $0x1000  }
0x3a: {  	[sflag:s20] =	ssyncset.done $0x0  }
0x3b: {  	s25 =	simm.s32 $0x1000;
	s23 =	rddreg [dreg:$0xa];
	[sflag:s20] =	ssyncadd.s32 $0xFFFFF000  }
0x3c: {  	[tilespmem:s25], [sflag:$0x9] =	stream.linear.gather [hbm4b:s23+s19], $0x1000, $0x38;
	[tilespmem:$0x1F180] =	vst v63  }
0x3d: {  	_ =	swait.ge [sflag:s20], $0x1000  }
0x3e: {  	[sflag:s20] =	ssyncset.done $0x0  }
0x3f: {  	s16 =	simm.s32 $0x0;
	[sflag:s20] =	ssyncadd.s32 $0xFFFFF000  }
0x40: {  	v2 =	vld [tilespmem:s16+$0x0];
	_ =	sdelay $0x1  }
0x41: {  	v3 =	vld [tilespmem:s16+$0x1000];
	_ =	sdelay $0x1  }
0x42: {  	s17 =	simm.s32 $0x10  }
0x43: {  	v4 =	vld [tilespmem:s17+$0x0];
	v2 =	vadd.f32 $4.000000000e+03, v2;
	_ =	sdelay $0x1  }
0x44: {  	v3 =	vadd.f32 $4.000000000e+03, v3;
	v2 =	vmul.f32 v2, v0;
	_ =	sdelay $0x1  }
0x45: {  	v3 =	vmul.f32 v3, v0;
	v2 =	vmax.f32 v2, $0.0e+00  }
0x46: {  	v4 =	vadd.f32 $4.000000000e+03, v4;
	v2 =	vmin.f32 v2, $1.000000000e+00  }
0x47: {  	s18 =	simm.s32 $0x20;
	v5 =	vld [tilespmem:s17+$0x1000];
	v6 =	vmul.f32 $4.900000000e+01, v2;
	v2 =	vmax.f32 v3, $0.0e+00  }
0x48: {  	v3 =	vmul.f32 v4, v0;
	v4 =	vmin.f32 v2, $1.000000000e+00;
	v2 =	vld [tilespmem:s18+$0x0];
	_ =	sdelay $0x3  }
0x49: {  	s19 =	simm.s32 $0xC0;
	v5 =	vadd.f32 $4.000000000e+03, v5;
	v6 =	vtrunc.f32 v6;
	v4 =	vmul.f32 $4.900000000e+01, v4  }
.LBB2_4:
0x4a: {  	s21 =	sshra.s32 s19, $0x2;
	v7 =	vadd.f32 $4.000000000e+03, v2;
	v8 =	vld [tilespmem:s18+$0x1000];
	v6 =	vcvt.f32.s32 v6;
	p0 =	sne.s32 s19, $0x3FC0  }
.Ltmp1:
0x4b: {  	v3 =	vmax.f32 v3, $0.0e+00;
	v2 =	vld [tilespmem:s21+$0x0];
	v5 =	vmul.f32 v5, v0;
	v4 =	vtrunc.f32 v4;
	(pc) =	sbr.rel @p0 .LBB2_4-.Ltmp1, $4  }
0x4c: {  	v3 =	vmin.f32 v3, $1.000000000e+00;
	v4 =	vcvt.f32.s32 v4;
	v6 =	vmul.u32 $0x32, v6  }
0x4d: {  	s19 =	sadd.s32 $0x40, s19;
	v9 =	vmul.f32 $4.900000000e+01, v3;
	v5 =	vmax.f32 v5, $0.0e+00  }
0x4e: {  	v3 =	vmul.f32 v7, v0;
	v7 =	vmin.f32 v5, $1.000000000e+00;
	v10 =	vadd.s32 v4, v6  }
0x4f: {  	v6 =	vtrunc.f32 v9;
	v5 =	vadd.f32 $4.000000000e+03, v8;
	v4 =	vmul.f32 $4.900000000e+01, v7;
	[tilespmem:s16+$0x2000] =	vst v10;
	s16 =	smov.u32 s17;
	s17 =	smov.u32 s18;
	s18 =	smov.u32 s21  }
0x50: {  	v7 =	vld [tilespmem:s18+$0x1000];
	_ =	sdelay $0x2  }
0x51: {  	v2 =	vadd.f32 $4.000000000e+03, v2  }
0x52: {  	v6 =	vcvt.f32.s32 v6;
	v3 =	vmax.f32 v3, $0.0e+00;
	v5 =	vmul.f32 v5, v0  }
0x53: {  	v3 =	vmin.f32 v3, $1.000000000e+00;
	v2 =	vmul.f32 v2, v0;
	v7 =	vadd.f32 $4.000000000e+03, v7  }
0x54: {  	v4 =	vtrunc.f32 v4;
	v3 =	vmul.f32 $4.900000000e+01, v3  }
0x55: {  	v5 =	vmax.f32 v5, $0.0e+00;
	v2 =	vmax.f32 v2, $0.0e+00;
	v7 =	vmul.f32 v7, v0  }
0x56: {  	v4 =	vcvt.f32.s32 v4;
	v5 =	vmin.f32 v5, $1.000000000e+00;
	v2 =	vmin.f32 v2, $1.000000000e+00  }
0x57: {  	v3 =	vtrunc.f32 v3;
	v2 =	vmul.f32 $4.900000000e+01, v2;
	v7 =	vmax.f32 v7, $0.0e+00  }
0x58: {  	v5 =	vmul.f32 $4.900000000e+01, v5;
	v3 =	vcvt.f32.s32 v3;
	v7 =	vmin.f32 v7, $1.000000000e+00  }
0x59: {  	v2 =	vtrunc.f32 v2;
	v7 =	vmul.f32 $4.900000000e+01, v7  }
0x5a: {  	v6 =	vmul.u32 $0x32, v6;
	v5 =	vtrunc.f32 v5;
	v2 =	vcvt.f32.s32 v2  }
0x5b: {  	v3 =	vmul.u32 $0x32, v3;
	v5 =	vcvt.f32.s32 v5;
	v7 =	vtrunc.f32 v7  }
0x5c: {  	v4 =	vadd.s32 v4, v6;
	v2 =	vmul.u32 $0x32, v2;
	v63 =	vcvt.f32.s32 v7  }
0x5d: {  	[tilespmem:s16+$0x2000] =	vst v4;
	v3 =	vadd.s32 v5, v3  }
0x5e: {  	[tilespmem:s17+$0x2000] =	vst v3;
	v2 =	vadd.s32 v63, v2  }
0x5f: {  	s6 =	simm.s32 $0x2000;
	p0 =	por $0x1, $0x1;
	[tilespmem:s18+$0x2000] =	vst v2  }
0x60: {  	[tilespmem:s24], [sflag:$0x1] =	stream.indirect.gather [spmem:s2], $0x100, s6, s22, $0xb8;
	[tilespmem:$0x1F180] =	vst v63  }
0x61: {  	s16 =	simm.s32 @!p0 $0x7;
	s18 =	simm.s32 $0x2020  }
0x62: {  	[tilespmem:s26], [sflag:$0x2] =	stream.indirect.gather [spmem:s2], $0x100, s18, s22, $0xb8;
	[tilespmem:$0x1F180] =	vst v63  }
0x63: {  	_ =	swait.ge @!p0 [sflag:s16], $0x2000  }
0x64: {  	[sflag:s16] =	ssyncset.done @!p0 $0x0  }
0x65: {  	s21 =	simm.s32 $0x2040;
	s19 =	rddreg [dreg:$0x6];
	[sflag:s16] =	ssyncadd.s32 @!p0 $0xFFFFE000  }
0x66: {  	[tilespmem:s19], [sflag:$0x3] =	stream.indirect.gather [spmem:s2], $0x100, s21, s22, $0xb8;
	[tilespmem:$0x1F180] =	vst v63  }
0x67: {  	_ =	swait.ge [sflag:s14], $0x2000  }
0x68: {  	[sflag:s14] =	ssyncset.done $0x0  }
0x69: {  	s16 =	simm.s32 @!p0 $0x8;
	[sflag:s14] =	ssyncadd.s32 $0xFFFFE000  }
0x6a: {  	[hbm4b:s10+s4] =	stream.linear.scatter [tilespmem:s24], [sflag:$0x5], $0x2000, $0x38;
	[tilespmem:$0x1F180] =	vst v63  }
0x6b: {  	_ =	swait.ge @!p0 [sflag:s16], $0x2000  }
0x6c: {  	[sflag:s16] =	ssyncset.done @!p0 $0x0  }
0x6d: {  	s23 =	simm.s32 $0x2060;
	[sflag:s16] =	ssyncadd.s32 @!p0 $0xFFFFE000  }
0x6e: {  	[tilespmem:s28], [sflag:$0x4] =	stream.indirect.gather [spmem:s2], $0x100, s23, s22, $0xb8;
	[tilespmem:$0x1F180] =	vst v63  }
0x6f: {  	_ =	swait.ge [sflag:s29], $0x2000  }
0x70: {  	p0 =	por $0x0, $0x0;
	[sflag:s29] =	ssyncset.done $0x0  }
0x71: {  	s25 =	sadd.s32 $0x400, s10;
	s17 =	simm.s32 @p0 $0x3;
	[sflag:s29] =	ssyncadd.s32 $0xFFFFE000  }
0x72: {  	[hbm4b:s25+s4] =	stream.linear.scatter [tilespmem:s26], [sflag:$0x6], $0x2000, $0x38;
	[tilespmem:$0x1F180] =	vst v63  }
0x73: {  	_ =	swait.ge @p0 [sflag:s17], $0x2000  }
0x74: {  	s18 =	simm.s32 @p0 $0x1B180;
	s19 =	simm.s32 @!p0 $0x5;
	[sflag:s17] =	ssyncset.done @p0 $0x0  }
0x75: {  	s16 =	rddreg [dreg:$0x7];
	[sflag:s17] =	ssyncadd.s32 @p0 $0xFFFFE000;
	s17 =	simm.s32 @p0 $0x0  }
0x76: {  	[hbm4b:s16+s17] =	stream.linear.scatter @p0 [tilespmem:s18], [sflag:$0x7], $0x2000, $0x38;
	[tilespmem:$0x1F180] =	vst v63  }
0x77: {  	_ =	swait.ge @!p0 [sflag:s19], $0x2000  }
0x78: {  	s21 =	simm.s32 @!p0 $0x20;
	s16 =	simm.s32 @!p0 $0x2080;
	[sflag:s19] =	ssyncset.done @!p0 $0x0  }
0x79: {  	s17 =	simm.s32 @!p0 $0x17180;
	s18 =	simm.s32 @!p0 $0x3;
	[sflag:s19] =	ssyncadd.s32 @!p0 $0xFFFFE000  }
0x7a: {  	[tilespmem:s17], [sflag:$0x1] =	stream.indirect.gather @!p0 [spmem:s2], $0x100, s16, s21, $0xb8;
	[tilespmem:$0x1F180] =	vst v63  }
0x7b: {  	_ =	swait.ge @!p0 [sflag:s18], $0x2000  }
0x7c: {  	s23 =	simm.s32 @!p0 $0x6;
	s19 =	simm.s32 @!p0 $0x0;
	[sflag:s18] =	ssyncset.done @!p0 $0x0  }
0x7d: {  	s16 =	simm.s32 @!p0 $0x1B180;
	s17 =	sadd.s32 @!p0 $0x800, s10;
	[sflag:s18] =	ssyncadd.s32 @!p0 $0xFFFFE000  }
0x7e: {  	[hbm4b:s17+s19] =	stream.linear.scatter @!p0 [tilespmem:s16], [sflag:$0x7], $0x2000, $0x38;
	[tilespmem:$0x1F180] =	vst v63  }
0x7f: {  	_ =	swait.ge @!p0 [sflag:s23], $0x2000  }
0x80: {  	p1 =	por $0x0, $0x0;
	s17 =	sadd.s32 $0x1000, s10;
	[sflag:s23] =	ssyncset.done @!p0 $0x0  }
0x81: {  	s16 =	simm.s32 @!p0 $0x20A0;
	s19 =	simm.s32 @!p0 $0x19180;
	[sflag:s23] =	ssyncadd.s32 @!p0 $0xFFFFE000  }
0x82: {  	[tilespmem:s19], [sflag:$0x2] =	stream.indirect.gather @!p0 [spmem:s2], $0x100, s16, s21, $0xb8;
	[tilespmem:$0x1F180] =	vst v63  }
0x83: {  	s18 =	simm.s32 $0x200;
	s23 =	sadd.s32 $0x1000, s17;
	s19 =	sadd.s32 $0xC00, s10  }
0x84: {  	s21 =	simm.s32 $0x400;
	s16 =	sadd.s32 $0xC00, s17;
	_ =	swait.ge [sflag:s30], $0x2000  }
.LBB2_6:
0x85: {  	[sflag:s30] =	ssyncset.done $0x0  }
0x86: {  	s25 =	simm.s32 @!p1 $0x7;
	[sflag:s30] =	ssyncadd.s32 $0xFFFFE000  }
0x87: {  	[hbm4b:s19+s4] =	stream.linear.scatter [tilespmem:s28], [sflag:$0x8], $0x2000, $0x38;
	[tilespmem:$0x1F180] =	vst v63  }
0x88: {  	_ =	swait.ge @!p1 [sflag:s25], $0x2000  }
0x89: {  	s9 =	sshra.s32 s18, $0x2;
	[sflag:s25] =	ssyncset.done @!p1 $0x0  }
0x8a: {  	s11 =	sadd.s32 $0x2040, s9;
	s8 =	rddreg [dreg:$0x6];
	[sflag:s25] =	ssyncadd.s32 @!p1 $0xFFFFE000  }
0x8b: {  	[tilespmem:s8], [sflag:$0x3] =	stream.indirect.gather [spmem:s2], $0x100, s11, s22, $0xb8;
	[tilespmem:$0x1F180] =	vst v63  }
0x8c: {  	_ =	swait.ge [sflag:s14], $0x2000  }
0x8d: {  	[sflag:s14] =	ssyncset.done $0x0  }
0x8e: {  	s8 =	simm.s32 @!p1 $0x8;
	[sflag:s14] =	ssyncadd.s32 $0xFFFFE000  }
0x8f: {  	[hbm4b:s17+s4] =	stream.linear.scatter [tilespmem:s24], [sflag:$0x5], $0x2000, $0x38;
	[tilespmem:$0x1F180] =	vst v63  }
0x90: {  	_ =	swait.ge @!p1 [sflag:s8], $0x2000  }
0x91: {  	s7 =	sadd.s32 $0xC00, s23;
	s19 =	smov.u32 s16;
	[sflag:s8] =	ssyncset.done @!p1 $0x0  }
0x92: {  	s16 =	smov.u32 s7;
	s7 =	sadd.s32 $0x2060, s9;
	[sflag:s8] =	ssyncadd.s32 @!p1 $0xFFFFE000  }
0x93: {  	[tilespmem:s28], [sflag:$0x4] =	stream.indirect.gather [spmem:s2], $0x100, s7, s22, $0xb8;
	[tilespmem:$0x1F180] =	vst v63  }
0x94: {  	s6 =	smov.u32 s21;
	p1 =	seq.s32 s18, $0x3E00;
	_ =	swait.ge [sflag:s29], $0x2000  }
0x95: {  	s25 =	sadd.s32 $0x400, s17;
	s8 =	simm.s32 @p1 $0x3;
	[sflag:s29] =	ssyncset.done $0x0  }
0x96: {  	s18 =	sshra.s32 @!p1 s18, $0x2;
	s9 =	simm.s32 @!p1 $0x5;
	[sflag:s29] =	ssyncadd.s32 $0xFFFFE000  }
0x97: {  	[hbm4b:s25+s4] =	stream.linear.scatter [tilespmem:s26], [sflag:$0x6], $0x2000, $0x38;
	[tilespmem:$0x1F180] =	vst v63  }
0x98: {  	s7 =	sadd.s32 @!p1 $0x2080, s18;
	s25 =	sadd.s32 @!p1 $0x20A0, s18;
	_ =	swait.ge @p1 [sflag:s8], $0x2000  }
0x99: {  	s18 =	smov.u32 s6;
	s6 =	simm.s32 @p1 $0x0;
	[sflag:s8] =	ssyncset.done @p1 $0x0  }
0x9a: {  	s11 =	rddreg [dreg:$0x7];
	[sflag:s8] =	ssyncadd.s32 @p1 $0xFFFFE000;
	s8 =	simm.s32 @p1 $0x1B180  }
0x9b: {  	[hbm4b:s11+s6] =	stream.linear.scatter @p1 [tilespmem:s8], [sflag:$0x7], $0x2000, $0x38;
	[tilespmem:$0x1F180] =	vst v63  }
0x9c: {  	_ =	swait.ge @!p1 [sflag:s9], $0x2000  }
0x9d: {  	s21 =	sadd.s32 $0x200, s21;
	s6 =	simm.s32 @!p1 $0x20;
	[sflag:s9] =	ssyncset.done @!p1 $0x0  }
0x9e: {  	s8 =	simm.s32 @!p1 $0x17180;
	[sflag:s9] =	ssyncadd.s32 @!p1 $0xFFFFE000;
	s9 =	simm.s32 @!p1 $0x3  }
0x9f: {  	[tilespmem:s8], [sflag:$0x1] =	stream.indirect.gather @!p1 [spmem:s2], $0x100, s7, s6, $0xb8;
	[tilespmem:$0x1F180] =	vst v63  }
0xa0: {  	p0 =	sne.s32 s21, $0x4000;
	_ =	swait.ge @!p1 [sflag:s9], $0x2000  }
0xa1: {  	s11 =	simm.s32 @!p1 $0x0;
	s7 =	simm.s32 @!p1 $0x1B180;
	[sflag:s9] =	ssyncset.done @!p1 $0x0  }
0xa2: {  	s8 =	sadd.s32 @!p1 $0x800, s17;
	[sflag:s9] =	ssyncadd.s32 @!p1 $0xFFFFE000;
	s9 =	simm.s32 @!p1 $0x6  }
0xa3: {  	[hbm4b:s8+s11] =	stream.linear.scatter @!p1 [tilespmem:s7], [sflag:$0x7], $0x2000, $0x38;
	[tilespmem:$0x1F180] =	vst v63  }
.Ltmp2:
0xa4: {  	_ =	swait.ge @!p1 [sflag:s9], $0x2000;
	(pc) =	sbr.rel @p0 .LBB2_6-.Ltmp2, $4  }
0xa5: {  	[sflag:s9] =	ssyncset.done @!p1 $0x0  }
0xa6: {  	s17 =	smov.u32 s23;
	s7 =	simm.s32 @!p1 $0x19180;
	[sflag:s9] =	ssyncadd.s32 @!p1 $0xFFFFE000  }
0xa7: {  	[tilespmem:s7], [sflag:$0x2] =	stream.indirect.gather @!p1 [spmem:s2], $0x100, s25, s6, $0xb8;
	[tilespmem:$0x1F180] =	vst v63  }
0xa8: {  	s23 =	sadd.s32 $0x1000, s23;
	p1 =	seq.s32 s18, $0x0;
	_ =	swait.ge [sflag:s30], $0x2000  }
0xa9: {  	[sflag:s30] =	ssyncset.done $0x0  }
0xaa: {  	s6 =	simm.s32 @!p1 $0x7;
	[sflag:s30] =	ssyncadd.s32 $0xFFFFE000  }
0xab: {  	[hbm4b:s19+s4] =	stream.linear.scatter [tilespmem:s28], [sflag:$0x8], $0x2000, $0x38;
	[tilespmem:$0x1F180] =	vst v63  }
0xac: {  	_ =	swait.ge @!p1 [sflag:s6], $0x2000  }
0xad: {  	s8 =	sshra.s32 s18, $0x2;
	[sflag:s6] =	ssyncset.done @!p1 $0x0  }
0xae: {  	s19 =	sadd.s32 $0x2040, s8;
	s7 =	rddreg [dreg:$0x6];
	[sflag:s6] =	ssyncadd.s32 @!p1 $0xFFFFE000  }
0xaf: {  	[tilespmem:s7], [sflag:$0x3] =	stream.indirect.gather [spmem:s2], $0x100, s19, s22, $0xb8;
	[tilespmem:$0x1F180] =	vst v63  }
0xb0: {  	_ =	swait.ge [sflag:s14], $0x2000  }
0xb1: {  	[sflag:s14] =	ssyncset.done $0x0  }
0xb2: {  	s6 =	simm.s32 @!p1 $0x8;
	[sflag:s14] =	ssyncadd.s32 $0xFFFFE000  }
0xb3: {  	[hbm4b:s17+s4] =	stream.linear.scatter [tilespmem:s24], [sflag:$0x5], $0x2000, $0x38;
	[tilespmem:$0x1F180] =	vst v63  }
0xb4: {  	_ =	swait.ge @!p1 [sflag:s6], $0x2000  }
0xb5: {  	[sflag:s6] =	ssyncset.done @!p1 $0x0  }
0xb6: {  	s21 =	sadd.s32 $0x2060, s8;
	[sflag:s6] =	ssyncadd.s32 @!p1 $0xFFFFE000  }
0xb7: {  	[tilespmem:s28], [sflag:$0x4] =	stream.indirect.gather [spmem:s2], $0x100, s21, s22, $0xb8;
	[tilespmem:$0x1F180] =	vst v63  }
0xb8: {  	_ =	swait.ge [sflag:s29], $0x2000  }
0xb9: {  	p0 =	seq.s32 s18, $0x3E00;
	[sflag:s29] =	ssyncset.done $0x0  }
0xba: {  	s23 =	sadd.s32 $0x400, s17;
	s7 =	simm.s32 @p0 $0x3;
	[sflag:s29] =	ssyncadd.s32 $0xFFFFE000  }
0xbb: {  	[hbm4b:s23+s4] =	stream.linear.scatter [tilespmem:s26], [sflag:$0x6], $0x2000, $0x38;
	[tilespmem:$0x1F180] =	vst v63  }
0xbc: {  	_ =	swait.ge @p0 [sflag:s7], $0x2000  }
0xbd: {  	s9 =	simm.s32 @!p0 $0x5;
	s8 =	simm.s32 @p0 $0x1B180;
	[sflag:s7] =	ssyncset.done @p0 $0x0  }
0xbe: {  	s6 =	rddreg [dreg:$0x7];
	[sflag:s7] =	ssyncadd.s32 @p0 $0xFFFFE000;
	s7 =	simm.s32 @p0 $0x0  }
0xbf: {  	[hbm4b:s6+s7] =	stream.linear.scatter @p0 [tilespmem:s8], [sflag:$0x7], $0x2000, $0x38;
	[tilespmem:$0x1F180] =	vst v63  }
0xc0: {  	s11 =	simm.s32 @!p0 $0x17180;
	_ =	swait.ge @!p0 [sflag:s9], $0x2000  }
0xc1: {  	s6 =	sshra.s32 @!p0 s18, $0x2;
	s8 =	simm.s32 @!p0 $0x20;
	[sflag:s9] =	ssyncset.done @!p0 $0x0  }
0xc2: {  	s7 =	sadd.s32 @!p0 $0x2080, s6;
	[sflag:s9] =	ssyncadd.s32 @!p0 $0xFFFFE000;
	s9 =	simm.s32 @!p0 $0x3  }
0xc3: {  	[tilespmem:s11], [sflag:$0x1] =	stream.indirect.gather @!p0 [spmem:s2], $0x100, s7, s8, $0xb8;
	[tilespmem:$0x1F180] =	vst v63  }
0xc4: {  	_ =	swait.ge @!p0 [sflag:s9], $0x2000  }
0xc5: {  	s7 =	simm.s32 @!p0 $0x1B180;
	s11 =	sadd.s32 @!p0 $0x800, s17;
	[sflag:s9] =	ssyncset.done @!p0 $0x0  }
0xc6: {  	s17 =	simm.s32 @!p0 $0x0;
	[sflag:s9] =	ssyncadd.s32 @!p0 $0xFFFFE000;
	s9 =	simm.s32 @!p0 $0x6  }
0xc7: {  	[hbm4b:s11+s17] =	stream.linear.scatter @!p0 [tilespmem:s7], [sflag:$0x7], $0x2000, $0x38;
	[tilespmem:$0x1F180] =	vst v63  }
0xc8: {  	_ =	swait.ge @!p0 [sflag:s9], $0x2000  }
0xc9: {  	[sflag:s9] =	ssyncset.done @!p0 $0x0  }
0xca: {  	s6 =	sadd.s32 @!p0 $0x20A0, s6;
	s7 =	simm.s32 @!p0 $0x19180;
	[sflag:s9] =	ssyncadd.s32 @!p0 $0xFFFFE000  }
0xcb: {  	[tilespmem:s7], [sflag:$0x2] =	stream.indirect.gather @!p0 [spmem:s2], $0x100, s6, s8, $0xb8;
	[tilespmem:$0x1F180] =	vst v63  }
0xcc: {  	_ =	swait.ge [sflag:s30], $0x2000  }
0xcd: {  	[sflag:s30] =	ssyncset.done $0x0  }
0xce: {  	[sflag:s30] =	ssyncadd.s32 $0xFFFFE000  }
0xcf: {  	[hbm4b:s16+s4] =	stream.linear.scatter [tilespmem:s28], [sflag:$0x8], $0x2000, $0x38;
	[tilespmem:$0x1F180] =	vst v63  }
0xd0: {  	_ =	swait.ge [sflag:s31], $0x2000  }
0xd1: {  	[sflag:s31] =	ssyncset.done $0x0  }
0xd2: {  	[sflag:s31] =	ssyncadd.s32 $0xFFFFE000  }
0xd3: {  	_ =	swait.ge [sflag:s0], $0x2000  }
0xd4: {  	[sflag:s0] =	ssyncset.done $0x0  }
0xd5: {  	[sflag:s0] =	ssyncadd.s32 $0xFFFFE000  }
0xd6: {  	_ =	swait.ge [sflag:s3], $0x2000  }
0xd7: {  	[sflag:s3] =	ssyncset.done $0x0  }
0xd8: {  	[sflag:s3] =	ssyncadd.s32 $0xFFFFE000  }
0xd9: {  	_ =	swait.ge [sflag:s12], $0x2000  }
0xda: {  	s15 =	sadd.s32 $0x1, s15;
	s25 =	rddreg [dreg:$0xb]  }
0xdb: {  	p0 =	sne.s32 s15, s25  }
.Ltmp3:
0xdc: {  	_ = 	snop;
	(pc) =	sbr.rel @p0 .LBB2_1-.Ltmp3, $3  }
0xdd: {  	_ =	sdelay $0x1  }
0xde: {  	[sflag:s12] =	ssyncset.done $0x0  }
0xdf: {  	[sflag:s12] =	ssyncadd.s32 $0xFFFFE000  }
0xe0: {  	_ =	sfence.sel $0x180000  }
0xe1: {  	[bflag:$0x0] =	sbarrier.arrive $0xFFFF  }
0xe2: {  	_ =	strace $0x90000047  }
0xe3: {  	s0 =	stileid.u32;
	[bflag:$0x2] =	sbarrier.arrive $0xFFFF  }
0xe4: {  	p0 =	sne.s32 s0, $0x0;
	s0 =	rddreg [dreg:$0x5]  }
0xe5: {  	s0 =	sadd.s32 @!p0 $0x100000, s0  }
0xe6: {  	[sflag:s0] =	ssyncadd.tile.s32 @!p0 $0x1;
	_ =	shalt  }
.Lfunc_end2:
_tile_overlayer_lowered:
.L_overlay_start_2:
0xe7: {  	(tag) =	ssettag $0x2  }
0xe8: {  	s0 =	rddreg [dreg:$0x0];
	s2 =	stileid.u32  }
0xe9: {  	s1 =	rddreg [dreg:$0x1];
	p0 =	sne.s32 s2, $0x0  }
0xea: {  	s3 =	rddreg [dreg:$0x2];
	[bflag:$0x3] =	sbarrier.arrive $0xFFFF;
	s2 =	simm.s32 @!p0 $0x1C09  }
0xeb: {  	[timem:s3], [sflag:s2] =	dma.local @!p0 [hbm:s0], s1  }
0xec: {  	s0 =	simm.s32 @!p0 $0x9  }
0xed: {  	_ =	swait.ge @!p0 [sflag:s0], s1  }
0xee: {  	s1 =	ssub.s32 @!p0 $0x0, s1;
	[sflag:s0] =	ssyncset.done @!p0 $0x0  }
0xef: {  	[sflag:s0] =	ssyncadd.s32 @!p0 s1  }
0xf0: {  	[bflag:$0x3] =	sbarrier.arrive $0xFFFF  }
0xf1: {  	_ =	shalt  }

</sc_bundles>
